<compile_context>
chip_gen: v7x
topology: tpu7x:2x2x1
jax: 0.10.2.dev20260603
libtpu: 0.0.44.dev20260713+nightly
codegen_flags: <defaults>
</compile_context>

<pallas_src>
import functools

import jax
import jax.numpy as jnp
from jax.experimental import pallas as pl
from jax.experimental.pallas import tpu as pltpu

_B, _C, _L, _H, _W = 2, 192, 8, 64, 64
_E, _K, _P = 8, 2, 8
_nH, _nW = _H // _P, _W // _P
_N = _B * _nH * _nW
_S = _L * _P * _P
_RB = 8


def _router_body(x_ref, rw_ref, rb_ref, ids_ref, wts_ref):
    xb = x_ref[...].astype(jnp.float32)
    means = jnp.mean(xb, axis=1)
    logits = jnp.dot(means, rw_ref[...],
                     preferred_element_type=jnp.float32) + rb_ref[...]
    neg = jnp.finfo(jnp.float32).min
    v0 = jnp.max(logits, axis=1)
    i0 = jnp.argmax(logits, axis=1)
    lane = jax.lax.broadcasted_iota(jnp.int32, logits.shape, 1)
    l2 = jnp.where(lane == i0[:, None], neg, logits)
    v1 = jnp.max(l2, axis=1)
    i1 = jnp.argmax(l2, axis=1)
    e1 = jnp.exp(v1 - v0)
    w0 = 1.0 / (1.0 + e1)
    w1 = 1.0 - w0
    ids_ref[0] = jnp.concatenate([i0[:, None], i1[:, None]], axis=1)
    wts_ref[0] = jnp.concatenate([w0[:, None], w1[:, None]], axis=1)


def _expert_one(shifted, maskh_ref, dw_ref, lng_ref, lnb_ref,
                pwi_ref, pwib_ref, pwo_ref, w):
    acc = jnp.zeros((_S, _C), dtype=jnp.bfloat16)
    for ih in range(-3, 4):
        t = jnp.zeros((_S, _C), dtype=jnp.bfloat16)
        for j in range(-3, 4):
            tap = (ih + 3) * 7 + (j + 3)
            t = t + shifted[j + 3] * dw_ref[0, tap, :][None, :]
        t = pltpu.roll(t, shift=(-_P * ih) % _S, axis=0)
        acc = acc + t * maskh_ref[ih + 3]
    y = acc.astype(jnp.float32)

    yr = y.reshape(_L, _P * _P, _C)
    mu = jnp.mean(yr, axis=1, keepdims=True)
    var = jnp.mean(yr * yr, axis=1, keepdims=True) - mu * mu
    yn = (yr - mu) * jax.lax.rsqrt(var + 1e-5)
    yl = (yn * lng_ref[0][None] + lnb_ref[0][None]).reshape(_S, _C)

    h = jnp.dot(yl, pwi_ref[0],
                preferred_element_type=jnp.float32) + pwib_ref[0]
    a = h[:, :_C]
    gt = h[:, _C:]
    act = a * jax.nn.sigmoid(a) * gt
    return jnp.dot(act, pwo_ref[0] * w,
                   preferred_element_type=jnp.float32)


def _expert_body(ids_ref, x_ref, maskw_ref, maskh_ref,
                 dw0_ref, lng0_ref, lnb0_ref,
                 pwi0_ref, pwib0_ref, pwo0_ref, pwob0_ref,
                 dw1_ref, lng1_ref, lnb1_ref,
                 pwi1_ref, pwib1_ref, pwo1_ref, pwob1_ref,
                 wts_ref, out_ref):
    del ids_ref
    p = pl.program_id(0)
    w0 = wts_ref[p, 0]
    w1 = wts_ref[p, 1]

    xp = x_ref[0]

    shifted = []
    for j in range(-3, 4):
        src = pltpu.roll(xp, shift=(-j) % _S, axis=0)
        shifted.append(src * maskw_ref[j + 3])

    o0 = _expert_one(shifted, maskh_ref, dw0_ref, lng0_ref, lnb0_ref,
                     pwi0_ref, pwib0_ref, pwo0_ref, w0)
    o1 = _expert_one(shifted, maskh_ref, dw1_ref, lng1_ref, lnb1_ref,
                     pwi1_ref, pwib1_ref, pwo1_ref, w1)
    bias = w0 * pwob0_ref[0] + w1 * pwob1_ref[0]
    out_ref[0] = xp.astype(jnp.float32) + o0 + o1 + bias


@jax.jit
def kernel(x, router_w, router_b, dw_w, dw_b, ln_g, ln_b,
           pwi_w, pwi_b, pwo_w, pwo_b):
    x_t = x.reshape(_B, _C, _L, _nH, _P, _nW, _P)
    x_t = x_t.transpose(0, 3, 5, 2, 4, 6, 1).reshape(_N, _S, _C)
    x_t = x_t.astype(jnp.bfloat16)

    rw_t = router_w.T
    rb_t = router_b.reshape(1, _E)
    dw_t = dw_w.reshape(_E, _C, 49).transpose(0, 2, 1).astype(jnp.bfloat16)
    del dw_b
    lng_t = jnp.broadcast_to(
        ln_g.reshape(_E, _P * _P, 1), (_E, _P * _P, _C))
    lnb_t = jnp.broadcast_to(
        ln_b.reshape(_E, _P * _P, 1), (_E, _P * _P, _C))
    pwi_t = pwi_w.transpose(0, 2, 1)
    pwib_t = pwi_b.reshape(_E, 1, 2 * _C)
    pwo_t = pwo_w.transpose(0, 2, 1)
    pwob_t = pwo_b.reshape(_E, 1, _C)

    nblk = _N // _RB
    ids, wts = pl.pallas_call(
        _router_body,
        grid=(nblk,),
        in_specs=[
            pl.BlockSpec((_RB, _S, _C), lambda i: (i, 0, 0)),
            pl.BlockSpec((_C, _E), lambda i: (0, 0)),
            pl.BlockSpec((1, _E), lambda i: (0, 0)),
        ],
        out_specs=[
            pl.BlockSpec((1, _RB, _K), lambda i: (i, 0, 0)),
            pl.BlockSpec((1, _RB, _K), lambda i: (i, 0, 0)),
        ],
        out_shape=[
            jax.ShapeDtypeStruct((nblk, _RB, _K), jnp.int32),
            jax.ShapeDtypeStruct((nblk, _RB, _K), jnp.float32),
        ],
    )(x_t, rw_t, rb_t)
    ids2 = ids.reshape(_N, _K)
    wts2 = wts.reshape(_N, _K)

    rows = jnp.arange(_S, dtype=jnp.int32)
    hh = (rows // _P) % _P
    ww = rows % _P
    offs = jnp.arange(-3, 4, dtype=jnp.int32)
    maskw = ((ww[None, :] + offs[:, None] >= 0)
             & (ww[None, :] + offs[:, None] < _P))
    maskh = ((hh[None, :] + offs[:, None] >= 0)
             & (hh[None, :] + offs[:, None] < _P))
    maskw_b = jnp.broadcast_to(
        maskw[:, :, None], (7, _S, _C)).astype(jnp.bfloat16)
    maskh_b = jnp.broadcast_to(
        maskh[:, :, None], (7, _S, _C)).astype(jnp.bfloat16)

    def _wspecs(k):
        return [
            pl.BlockSpec((1, 49, _C), lambda i, ids: (ids[i, k], 0, 0)),
            pl.BlockSpec((1, _P * _P, _C), lambda i, ids: (ids[i, k], 0, 0)),
            pl.BlockSpec((1, _P * _P, _C), lambda i, ids: (ids[i, k], 0, 0)),
            pl.BlockSpec((1, _C, 2 * _C), lambda i, ids: (ids[i, k], 0, 0)),
            pl.BlockSpec((1, 1, 2 * _C), lambda i, ids: (ids[i, k], 0, 0)),
            pl.BlockSpec((1, _C, _C), lambda i, ids: (ids[i, k], 0, 0)),
            pl.BlockSpec((1, 1, _C), lambda i, ids: (ids[i, k], 0, 0)),
        ]

    grid_spec = pltpu.PrefetchScalarGridSpec(
        num_scalar_prefetch=1,
        grid=(_N,),
        in_specs=(
            [pl.BlockSpec((1, _S, _C), lambda i, ids: (i, 0, 0)),
             pl.BlockSpec((7, _S, _C), lambda i, ids: (0, 0, 0)),
             pl.BlockSpec((7, _S, _C), lambda i, ids: (0, 0, 0))]
            + _wspecs(0) + _wspecs(1)
            + [pl.BlockSpec(memory_space=pltpu.SMEM)]
        ),
        out_specs=pl.BlockSpec((1, _S, _C), lambda i, ids: (i, 0, 0)),
    )
    wargs = (dw_t, lng_t, lnb_t, pwi_t, pwib_t, pwo_t, pwob_t)
    out_t = pl.pallas_call(
        _expert_body,
        grid_spec=grid_spec,
        out_shape=jax.ShapeDtypeStruct((_N, _S, _C), jnp.float32),
    )(ids2, x_t, maskw_b, maskh_b, *wargs, *wargs, wts2)

    out = out_t.reshape(_B, _nH, _nW, _L, _P, _P, _C)
    out = out.transpose(0, 6, 3, 1, 4, 2, 5).reshape(_B, _C, _L, _H, _W)
    return out

# --- scband reference (transcript-rebuilt; emitter-appended) ---
"""Pipeline reference for scband-spatial-patch-mo-e-326417514517 (READ-ONLY COPY).

The authoritative reference and input builder live on the scoring server;
editing this copy changes nothing except your own understanding.
"""

import jax, jax.numpy as jnp
import numpy as np

B, C, L, H, W = 2, 192, 8, 64, 64
E, K, P = 8, 2, 8


def setup_inputs(seed: int = 0) -> dict:
    key = jax.random.key(seed)
    ks = jax.random.split(key, 8)
    s = 0.05
    x = jax.random.normal(ks[0], (B, C, L, H, W), dtype=jnp.float32)
    router_w = jax.random.normal(ks[1], (E, C), dtype=jnp.float32) * s
    router_b = jnp.zeros((E,), dtype=jnp.float32)
    dw_w = jax.random.normal(ks[2], (E, C, 1, 1, 7, 7), dtype=jnp.float32) * s
    dw_b = jnp.zeros((E, C), dtype=jnp.float32)
    ln_g = jnp.ones((E, P, P), dtype=jnp.float32)
    ln_b = jnp.zeros((E, P, P), dtype=jnp.float32)
    pwi_w = jax.random.normal(ks[3], (E, 2 * C, C), dtype=jnp.float32) * s
    pwi_b = jnp.zeros((E, 2 * C), dtype=jnp.float32)
    pwo_w = jax.random.normal(ks[4], (E, C, C), dtype=jnp.float32) * s
    pwo_b = jnp.zeros((E, C), dtype=jnp.float32)
    return {"x": x, "router_w": router_w, "router_b": router_b, "dw_w": dw_w, "dw_b": dw_b,
            "ln_g": ln_g, "ln_b": ln_b, "pwi_w": pwi_w, "pwi_b": pwi_b, "pwo_w": pwo_w, "pwo_b": pwo_b}


def _expert(xp, dw_w, dw_b, ln_g, ln_b, pwi_w, pwi_b, pwo_w, pwo_b):
    # GatedConvBlock (use_cbam=False, cond=None)
    residual = xp
    y = jax.lax.conv_general_dilated(
        xp, dw_w, window_strides=(1, 1, 1), padding='SAME',
        feature_group_count=C,
        dimension_numbers=('NCDHW', 'OIDHW', 'NCDHW')) + dw_b[None, :, None, None, None]
    # LayerNorm over last two spatial dims (per B,C,L position), affine (P,P)
    mu = jnp.mean(y, axis=(-2, -1), keepdims=True)
    var = jnp.var(y, axis=(-2, -1), keepdims=True)
    y = (y - mu) / jnp.sqrt(var + 1e-5) * ln_g + ln_b
    h = jnp.einsum('ncdhw,oc->nodhw', y, pwi_w) + pwi_b[None, :, None, None, None]
    a, g = jnp.split(h, 2, axis=1)
    y = jax.nn.silu(a) * g
    y = jnp.einsum('ncdhw,oc->nodhw', y, pwo_w) + pwo_b[None, :, None, None, None]
    return residual + y


def reference(x, router_w, router_b, dw_w, dw_b, ln_g, ln_b, pwi_w, pwi_b, pwo_w, pwo_b):
    # H, W divisible by P -> pad_h = pad_w = 0
    nH, nW = H // P, W // P
    N = B * nH * nW
    x_patches = x.reshape(B, C, L, nH, P, nW, P).transpose(0, 3, 5, 1, 2, 4, 6).reshape(N, C, L, P, P)
    router_in = jnp.mean(x_patches, axis=(2, 3, 4))
    logits = router_in @ router_w.T + router_b
    topk_v, topk_i = jax.lax.top_k(logits, K)
    topk_w = jax.nn.softmax(topk_v, axis=1)
    out = jnp.zeros_like(x_patches)
    for e in range(E):
        w_e = jnp.sum(topk_w * (topk_i == e).astype(topk_w.dtype), axis=1)
        y_e = _expert(x_patches, dw_w[e], dw_b[e], ln_g[e], ln_b[e], pwi_w[e], pwi_b[e], pwo_w[e], pwo_b[e])
        out = out + w_e[:, None, None, None, None] * y_e
    output = out.reshape(B, nH, nW, C, L, P, P).transpose(0, 3, 4, 1, 5, 2, 6).reshape(B, C, L, H, W)
    return output

if __name__ == "__main__":
    import jax
    _d = setup_inputs()
    print(jax.jit(kernel)(*tuple(_d.values())))

</pallas_src>

<mosaic_0001>
module attributes {stable_mosaic.version = 14 : i64} {
  func.func @_router_body(%arg0: i32, %arg1: memref<8x512x192xbf16, #tpu.memory_space<vmem>>, %arg2: memref<192x8xf32, #tpu.memory_space<vmem>>, %arg3: memref<1x8xf32, #tpu.memory_space<vmem>>, %arg4: memref<1x8x2xi32, #tpu.memory_space<vmem>>, %arg5: memref<1x8x2xf32, #tpu.memory_space<vmem>>) attributes {dimension_semantics = [#tpu.dimension_semantics<arbitrary>], iteration_bounds = array<i64: 16>, scalar_prefetch = 0 : i64, scratch_operands = 0 : i64, tpu.core_type = #tpu.core_type<tc>, window_params = [{transform_indices = @transform_0, window_bounds = array<i64: 8, 512, 192>}, {pipeline_mode = #tpu.pipeline_mode<synchronous>, transform_indices = @transform_1, window_bounds = array<i64: 192, 8>}, {pipeline_mode = #tpu.pipeline_mode<synchronous>, transform_indices = @transform_2, window_bounds = array<i64: 1, 8>}, {transform_indices = @transform_3, window_bounds = array<i64: 1, 8, 2>}, {transform_indices = @transform_4, window_bounds = array<i64: 1, 8, 2>}]} {
    %get3A = arith.constant 0 : index
    %get3A_0 = arith.constant 0 : index
    %get3A_1 = arith.constant 0 : index
    %get3A_2 = vector.load %arg1[%get3A, %get3A_0, %get3A_1] : memref<8x512x192xbf16, #tpu.memory_space<vmem>>, vector<8x512x192xbf16>
    %convert_element_type3A = arith.extf %get3A_2 : vector<8x512x192xbf16> to vector<8x512x192xf32>
    %reduce_sum3A = arith.constant dense<0.000000e+00> : vector<8x192xf32>
    %reduce_sum3A_3 = vector.multi_reduction <add>, %convert_element_type3A, %reduce_sum3A [1] : vector<8x512x192xf32> to vector<8x192xf32>
    %div3A = arith.constant 5.120000e+02 : f32
    %div3A_4 = vector.broadcast %div3A : f32 to vector<8x192xf32>
    %div3A_5 = arith.divf %reduce_sum3A_3, %div3A_4 : vector<8x192xf32>
    %get3A_6 = arith.constant 0 : index
    %get3A_7 = arith.constant 0 : index
    %get3A_8 = vector.load %arg2[%get3A_6, %get3A_7] : memref<192x8xf32, #tpu.memory_space<vmem>>, vector<192x8xf32>
    %dot_general3A = arith.constant dense<0.000000e+00> : vector<8x8xf32>
    %dot_general3A_9 = tpu.matmul %div3A_5, %get3A_8, %dot_general3A {dimension_numbers = #tpu.dot_dimension_numbers<[1], [0], [0], [1], [0, 0, 1, 1], [], []>, transpose_lhs_hint = false} : vector<8x192xf32>, vector<192x8xf32>, vector<8x8xf32> -> vector<8x8xf32>
    %get3A_10 = arith.constant 0 : index
    %get3A_11 = arith.constant 0 : index
    %get3A_12 = vector.load %arg3[%get3A_10, %get3A_11] : memref<1x8xf32, #tpu.memory_space<vmem>>, vector<1x8xf32>
    %add3A = vector.broadcast %get3A_12 : vector<1x8xf32> to vector<8x8xf32>
    %add3A_13 = arith.addf %dot_general3A_9, %add3A : vector<8x8xf32>
    %reduce_max3A = arith.constant dense<0xFF800000> : vector<8xf32>
    %reduce_max3A_14 = vector.multi_reduction <maximumf>, %add3A_13, %reduce_max3A [1] : vector<8x8xf32> to vector<8xf32>
    %argmax3A = tpu.reduce_index %add3A_13 {axis = 1 : i32, kind = #tpu.reduction_kind<arg_max>} : vector<8x8xf32> -> vector<8xi32>
    %iota3A = tpu.iota {dimensions = array<i32: 1>} : vector<8x8xi32>
    %broadcast_in_dim3A = vector.shape_cast %argmax3A : vector<8xi32> to vector<8x1xi32>
    %eq3A = vector.broadcast %broadcast_in_dim3A : vector<8x1xi32> to vector<8x8xi32>
    %eq3A_15 = arith.cmpi eq, %iota3A, %eq3A : vector<8x8xi32>
    %jit3A = arith.constant -3.40282347E+38 : f32
    %broadcast_in_dim3A_16 = vector.broadcast %jit3A : f32 to vector<8x8xf32>
    %select_n3A = arith.select %eq3A_15, %broadcast_in_dim3A_16, %add3A_13 : vector<8x8xi1>, vector<8x8xf32>
    %reduce_max3A_17 = arith.constant dense<0xFF800000> : vector<8xf32>
    %reduce_max3A_18 = vector.multi_reduction <maximumf>, %select_n3A, %reduce_max3A_17 [1] : vector<8x8xf32> to vector<8xf32>
    %argmax3A_19 = tpu.reduce_index %select_n3A {axis = 1 : i32, kind = #tpu.reduction_kind<arg_max>} : vector<8x8xf32> -> vector<8xi32>
    %sub3A = arith.subf %reduce_max3A_18, %reduce_max3A_14 : vector<8xf32>
    %exp3A = math.exp %sub3A : vector<8xf32>
    %add3A_20 = arith.constant 1.000000e+00 : f32
    %add3A_21 = vector.broadcast %add3A_20 : f32 to vector<8xf32>
    %add3A_22 = arith.addf %add3A_21, %exp3A : vector<8xf32>
    %div3A_23 = arith.constant 1.000000e+00 : f32
    %div3A_24 = vector.broadcast %div3A_23 : f32 to vector<8xf32>
    %div3A_25 = arith.divf %div3A_24, %add3A_22 : vector<8xf32>
    %sub3A_26 = arith.constant 1.000000e+00 : f32
    %sub3A_27 = vector.broadcast %sub3A_26 : f32 to vector<8xf32>
    %sub3A_28 = arith.subf %sub3A_27, %div3A_25 : vector<8xf32>
    %broadcast_in_dim3A_29 = vector.shape_cast %argmax3A : vector<8xi32> to vector<8x1xi32>
    %broadcast_in_dim3A_30 = vector.shape_cast %argmax3A_19 : vector<8xi32> to vector<8x1xi32>
    %concatenate3A = tpu.concatenate %broadcast_in_dim3A_29, %broadcast_in_dim3A_30 in 1 : vector<8x1xi32>, vector<8x1xi32> -> vector<8x2xi32>
    %swap3A = arith.constant 0 : index
    %swap3A_31 = arith.constant 0 : index
    %swap3A_32 = arith.constant 0 : index
    %swap3A_33 = vector.load %arg4[%swap3A, %swap3A_31, %swap3A_32] : memref<1x8x2xi32, #tpu.memory_space<vmem>>, vector<1x8x2xi32>
    %swap3A_34 = vector.shape_cast %swap3A_33 : vector<1x8x2xi32> to vector<8x2xi32>
    %swap3A_35 = vector.shape_cast %concatenate3A : vector<8x2xi32> to vector<1x8x2xi32>
    tpu.vector_store %arg4[%swap3A, %swap3A_31, %swap3A_32], %swap3A_35 {strides = array<i32>} : memref<1x8x2xi32, #tpu.memory_space<vmem>>, vector<1x8x2xi32>,
    %broadcast_in_dim3A_36 = vector.shape_cast %div3A_25 : vector<8xf32> to vector<8x1xf32>
    %broadcast_in_dim3A_37 = vector.shape_cast %sub3A_28 : vector<8xf32> to vector<8x1xf32>
    %concatenate3A_38 = tpu.concatenate %broadcast_in_dim3A_36, %broadcast_in_dim3A_37 in 1 : vector<8x1xf32>, vector<8x1xf32> -> vector<8x2xf32>
    %swap3A_39 = arith.constant 0 : index
    %swap3A_40 = arith.constant 0 : index
    %swap3A_41 = arith.constant 0 : index
    %swap3A_42 = vector.load %arg5[%swap3A_39, %swap3A_40, %swap3A_41] : memref<1x8x2xf32, #tpu.memory_space<vmem>>, vector<1x8x2xf32>
    %swap3A_43 = vector.shape_cast %swap3A_42 : vector<1x8x2xf32> to vector<8x2xf32>
    %swap3A_44 = vector.shape_cast %concatenate3A_38 : vector<8x2xf32> to vector<1x8x2xf32>
    tpu.vector_store %arg5[%swap3A_39, %swap3A_40, %swap3A_41], %swap3A_44 {strides = array<i32>} : memref<1x8x2xf32, #tpu.memory_space<vmem>>, vector<1x8x2xf32>,
    return
  }
  func.func @transform_0(%arg0: i32) -> (i32, i32, i32) {
    %c0_i32 = arith.constant 0 : i32
    %c0_i32_0 = arith.constant 0 : i32
    %c0_i32_1 = arith.constant 0 : i32
    return %arg0, %c0_i32, %c0_i32_0 : i32, i32, i32
  }
  func.func @transform_1(%arg0: i32) -> (i32, i32) {
    %c0_i32 = arith.constant 0 : i32
    %c0_i32_0 = arith.constant 0 : i32
    %c0_i32_1 = arith.constant 0 : i32
    return %c0_i32, %c0_i32_0 : i32, i32
  }
  func.func @transform_2(%arg0: i32) -> (i32, i32) {
    %c0_i32 = arith.constant 0 : i32
    %c0_i32_0 = arith.constant 0 : i32
    %c0_i32_1 = arith.constant 0 : i32
    return %c0_i32, %c0_i32_0 : i32, i32
  }
  func.func @transform_3(%arg0: i32) -> (i32, i32, i32) {
    %c0_i32 = arith.constant 0 : i32
    %c0_i32_0 = arith.constant 0 : i32
    %c0_i32_1 = arith.constant 0 : i32
    return %arg0, %c0_i32, %c0_i32_0 : i32, i32, i32
  }
  func.func @transform_4(%arg0: i32) -> (i32, i32, i32) {
    %c0_i32 = arith.constant 0 : i32
    %c0_i32_0 = arith.constant 0 : i32
    %c0_i32_1 = arith.constant 0 : i32
    return %arg0, %c0_i32, %c0_i32_0 : i32, i32, i32
  }
}

module attributes {stable_mosaic.version = 14 : i64} {
  func.func @_expert_body(%arg0: i32, %arg1: memref<128x2xi32, #tpu.memory_space<smem>>, %arg2: memref<1x512x192xbf16, #tpu.memory_space<vmem>>, %arg3: memref<7x512x192xbf16, #tpu.memory_space<vmem>>, %arg4: memref<7x512x192xbf16, #tpu.memory_space<vmem>>, %arg5: memref<1x49x192xbf16, #tpu.memory_space<vmem>>, %arg6: memref<1x64x192xf32, #tpu.memory_space<vmem>>, %arg7: memref<1x64x192xf32, #tpu.memory_space<vmem>>, %arg8: memref<1x192x384xf32, #tpu.memory_space<vmem>>, %arg9: memref<1x1x384xf32, #tpu.memory_space<vmem>>, %arg10: memref<1x192x192xf32, #tpu.memory_space<vmem>>, %arg11: memref<1x1x192xf32, #tpu.memory_space<vmem>>, %arg12: memref<1x49x192xbf16, #tpu.memory_space<vmem>>, %arg13: memref<1x64x192xf32, #tpu.memory_space<vmem>>, %arg14: memref<1x64x192xf32, #tpu.memory_space<vmem>>, %arg15: memref<1x192x384xf32, #tpu.memory_space<vmem>>, %arg16: memref<1x1x384xf32, #tpu.memory_space<vmem>>, %arg17: memref<1x192x192xf32, #tpu.memory_space<vmem>>, %arg18: memref<1x1x192xf32, #tpu.memory_space<vmem>>, %arg19: memref<128x2xf32, #tpu.memory_space<smem>>, %arg20: memref<1x512x192xf32, #tpu.memory_space<vmem>>) attributes {dimension_semantics = [#tpu.dimension_semantics<arbitrary>], iteration_bounds = array<i64: 128>, scalar_prefetch = 1 : i64, scratch_operands = 0 : i64, tpu.core_type = #tpu.core_type<tc>, window_params = [{transform_indices = @transform_0, window_bounds = array<i64: 1, 512, 192>}, {pipeline_mode = #tpu.pipeline_mode<synchronous>, transform_indices = @transform_1, window_bounds = array<i64: 7, 512, 192>}, {pipeline_mode = #tpu.pipeline_mode<synchronous>, transform_indices = @transform_2, window_bounds = array<i64: 7, 512, 192>}, {transform_indices = @transform_3, window_bounds = array<i64: 1, 49, 192>}, {transform_indices = @transform_4, window_bounds = array<i64: 1, 64, 192>}, {transform_indices = @transform_5, window_bounds = array<i64: 1, 64, 192>}, {transform_indices = @transform_6, window_bounds = array<i64: 1, 192, 384>}, {transform_indices = @transform_7, window_bounds = array<i64: 1, 1, 384>}, {transform_indices = @transform_8, window_bounds = array<i64: 1, 192, 192>}, {transform_indices = @transform_9, window_bounds = array<i64: 1, 1, 192>}, {transform_indices = @transform_10, window_bounds = array<i64: 1, 49, 192>}, {transform_indices = @transform_11, window_bounds = array<i64: 1, 64, 192>}, {transform_indices = @transform_12, window_bounds = array<i64: 1, 64, 192>}, {transform_indices = @transform_13, window_bounds = array<i64: 1, 192, 384>}, {transform_indices = @transform_14, window_bounds = array<i64: 1, 1, 384>}, {transform_indices = @transform_15, window_bounds = array<i64: 1, 192, 192>}, {transform_indices = @transform_16, window_bounds = array<i64: 1, 1, 192>}, {transform_indices = @transform_17, window_bounds = array<i64: 128, 2>}, {transform_indices = @transform_18, window_bounds = array<i64: 1, 512, 192>}]} {
    %get3A = arith.index_cast %arg0 : i32 to index
    %get3A_0 = arith.constant 0 : index
    %get3A_1 = memref.load %arg19[%get3A, %get3A_0] : memref<128x2xf32, #tpu.memory_space<smem>>
    %get3A_2 = arith.index_cast %arg0 : i32 to index
    %get3A_3 = arith.constant 1 : index
    %get3A_4 = memref.load %arg19[%get3A_2, %get3A_3] : memref<128x2xf32, #tpu.memory_space<smem>>
    %get3A_5 = arith.constant 0 : index
    %get3A_6 = arith.constant 0 : index
    %get3A_7 = arith.constant 0 : index
    %get3A_8 = vector.load %arg2[%get3A_5, %get3A_6, %get3A_7] : memref<1x512x192xbf16, #tpu.memory_space<vmem>>, vector<1x512x192xbf16>
    %get3A_9 = vector.shape_cast %get3A_8 : vector<1x512x192xbf16> to vector<512x192xbf16>
    %roll3A = arith.constant 3 : i32
    %roll3A_10 = tpu.dynamic_rotate %get3A_9 by %roll3A dim 0 : vector<512x192xbf16>, i32 -> vector<512x192xbf16>
    %get3A_11 = arith.constant 0 : index
    %get3A_12 = arith.constant 0 : index
    %get3A_13 = arith.constant 0 : index
    %get3A_14 = vector.load %arg3[%get3A_11, %get3A_12, %get3A_13] : memref<7x512x192xbf16, #tpu.memory_space<vmem>>, vector<1x512x192xbf16>
    %get3A_15 = vector.shape_cast %get3A_14 : vector<1x512x192xbf16> to vector<512x192xbf16>
    %mul3A = arith.mulf %roll3A_10, %get3A_15 : vector<512x192xbf16>
    %roll3A_16 = arith.constant 2 : i32
    %roll3A_17 = tpu.dynamic_rotate %get3A_9 by %roll3A_16 dim 0 : vector<512x192xbf16>, i32 -> vector<512x192xbf16>
    %get3A_18 = arith.constant 1 : index
    %get3A_19 = arith.constant 0 : index
    %get3A_20 = arith.constant 0 : index
    %get3A_21 = vector.load %arg3[%get3A_18, %get3A_19, %get3A_20] : memref<7x512x192xbf16, #tpu.memory_space<vmem>>, vector<1x512x192xbf16>
    %get3A_22 = vector.shape_cast %get3A_21 : vector<1x512x192xbf16> to vector<512x192xbf16>
    %mul3A_23 = arith.mulf %roll3A_17, %get3A_22 : vector<512x192xbf16>
    %roll3A_24 = arith.constant 1 : i32
    %roll3A_25 = tpu.dynamic_rotate %get3A_9 by %roll3A_24 dim 0 : vector<512x192xbf16>, i32 -> vector<512x192xbf16>
    %get3A_26 = arith.constant 2 : index
    %get3A_27 = arith.constant 0 : index
    %get3A_28 = arith.constant 0 : index
    %get3A_29 = vector.load %arg3[%get3A_26, %get3A_27, %get3A_28] : memref<7x512x192xbf16, #tpu.memory_space<vmem>>, vector<1x512x192xbf16>
    %get3A_30 = vector.shape_cast %get3A_29 : vector<1x512x192xbf16> to vector<512x192xbf16>
    %mul3A_31 = arith.mulf %roll3A_25, %get3A_30 : vector<512x192xbf16>
    %roll3A_32 = arith.constant 0 : i32
    %roll3A_33 = tpu.dynamic_rotate %get3A_9 by %roll3A_32 dim 0 : vector<512x192xbf16>, i32 -> vector<512x192xbf16>
    %get3A_34 = arith.constant 3 : index
    %get3A_35 = arith.constant 0 : index
    %get3A_36 = arith.constant 0 : index
    %get3A_37 = vector.load %arg3[%get3A_34, %get3A_35, %get3A_36] : memref<7x512x192xbf16, #tpu.memory_space<vmem>>, vector<1x512x192xbf16>
    %get3A_38 = vector.shape_cast %get3A_37 : vector<1x512x192xbf16> to vector<512x192xbf16>
    %mul3A_39 = arith.mulf %roll3A_33, %get3A_38 : vector<512x192xbf16>
    %roll3A_40 = arith.constant 511 : i32
    %roll3A_41 = tpu.dynamic_rotate %get3A_9 by %roll3A_40 dim 0 : vector<512x192xbf16>, i32 -> vector<512x192xbf16>
    %get3A_42 = arith.constant 4 : index
    %get3A_43 = arith.constant 0 : index
    %get3A_44 = arith.constant 0 : index
    %get3A_45 = vector.load %arg3[%get3A_42, %get3A_43, %get3A_44] : memref<7x512x192xbf16, #tpu.memory_space<vmem>>, vector<1x512x192xbf16>
    %get3A_46 = vector.shape_cast %get3A_45 : vector<1x512x192xbf16> to vector<512x192xbf16>
    %mul3A_47 = arith.mulf %roll3A_41, %get3A_46 : vector<512x192xbf16>
    %roll3A_48 = arith.constant 510 : i32
    %roll3A_49 = tpu.dynamic_rotate %get3A_9 by %roll3A_48 dim 0 : vector<512x192xbf16>, i32 -> vector<512x192xbf16>
    %get3A_50 = arith.constant 5 : index
    %get3A_51 = arith.constant 0 : index
    %get3A_52 = arith.constant 0 : index
    %get3A_53 = vector.load %arg3[%get3A_50, %get3A_51, %get3A_52] : memref<7x512x192xbf16, #tpu.memory_space<vmem>>, vector<1x512x192xbf16>
    %get3A_54 = vector.shape_cast %get3A_53 : vector<1x512x192xbf16> to vector<512x192xbf16>
    %mul3A_55 = arith.mulf %roll3A_49, %get3A_54 : vector<512x192xbf16>
    %roll3A_56 = arith.constant 509 : i32
    %roll3A_57 = tpu.dynamic_rotate %get3A_9 by %roll3A_56 dim 0 : vector<512x192xbf16>, i32 -> vector<512x192xbf16>
    %get3A_58 = arith.constant 6 : index
    %get3A_59 = arith.constant 0 : index
    %get3A_60 = arith.constant 0 : index
    %get3A_61 = vector.load %arg3[%get3A_58, %get3A_59, %get3A_60] : memref<7x512x192xbf16, #tpu.memory_space<vmem>>, vector<1x512x192xbf16>
    %get3A_62 = vector.shape_cast %get3A_61 : vector<1x512x192xbf16> to vector<512x192xbf16>
    %mul3A_63 = arith.mulf %roll3A_57, %get3A_62 : vector<512x192xbf16>
    %broadcast_in_dim3A = arith.constant 0.000000e+00 : bf16
    %broadcast_in_dim3A_64 = vector.broadcast %broadcast_in_dim3A : bf16 to vector<512x192xbf16>
    %broadcast_in_dim3A_65 = arith.constant 0.000000e+00 : bf16
    %broadcast_in_dim3A_66 = vector.broadcast %broadcast_in_dim3A_65 : bf16 to vector<512x192xbf16>
    %get3A_67 = arith.constant 0 : index
    %get3A_68 = arith.constant 0 : index
    %get3A_69 = arith.constant 0 : index
    %get3A_70 = vector.load %arg5[%get3A_67, %get3A_68, %get3A_69] : memref<1x49x192xbf16, #tpu.memory_space<vmem>>, vector<1x1x192xbf16>
    %get3A_71 = vector.shape_cast %get3A_70 : vector<1x1x192xbf16> to vector<192xbf16>
    %broadcast_in_dim3A_72 = vector.shape_cast %get3A_71 : vector<192xbf16> to vector<1x192xbf16>
    %mul3A_73 = vector.broadcast %broadcast_in_dim3A_72 : vector<1x192xbf16> to vector<512x192xbf16>
    %mul3A_74 = arith.mulf %mul3A, %mul3A_73 : vector<512x192xbf16>
    %add3A = arith.addf %broadcast_in_dim3A_66, %mul3A_74 : vector<512x192xbf16>
    %get3A_75 = arith.constant 0 : index
    %get3A_76 = arith.constant 1 : index
    %get3A_77 = arith.constant 0 : index
    %get3A_78 = vector.load %arg5[%get3A_75, %get3A_76, %get3A_77] : memref<1x49x192xbf16, #tpu.memory_space<vmem>>, vector<1x1x192xbf16>
    %get3A_79 = vector.shape_cast %get3A_78 : vector<1x1x192xbf16> to vector<192xbf16>
    %broadcast_in_dim3A_80 = vector.shape_cast %get3A_79 : vector<192xbf16> to vector<1x192xbf16>
    %mul3A_81 = vector.broadcast %broadcast_in_dim3A_80 : vector<1x192xbf16> to vector<512x192xbf16>
    %mul3A_82 = arith.mulf %mul3A_23, %mul3A_81 : vector<512x192xbf16>
    %add3A_83 = arith.addf %add3A, %mul3A_82 : vector<512x192xbf16>
    %get3A_84 = arith.constant 0 : index
    %get3A_85 = arith.constant 2 : index
    %get3A_86 = arith.constant 0 : index
    %get3A_87 = vector.load %arg5[%get3A_84, %get3A_85, %get3A_86] : memref<1x49x192xbf16, #tpu.memory_space<vmem>>, vector<1x1x192xbf16>
    %get3A_88 = vector.shape_cast %get3A_87 : vector<1x1x192xbf16> to vector<192xbf16>
    %broadcast_in_dim3A_89 = vector.shape_cast %get3A_88 : vector<192xbf16> to vector<1x192xbf16>
    %mul3A_90 = vector.broadcast %broadcast_in_dim3A_89 : vector<1x192xbf16> to vector<512x192xbf16>
    %mul3A_91 = arith.mulf %mul3A_31, %mul3A_90 : vector<512x192xbf16>
    %add3A_92 = arith.addf %add3A_83, %mul3A_91 : vector<512x192xbf16>
    %get3A_93 = arith.constant 0 : index
    %get3A_94 = arith.constant 3 : index
    %get3A_95 = arith.constant 0 : index
    %get3A_96 = vector.load %arg5[%get3A_93, %get3A_94, %get3A_95] : memref<1x49x192xbf16, #tpu.memory_space<vmem>>, vector<1x1x192xbf16>
    %get3A_97 = vector.shape_cast %get3A_96 : vector<1x1x192xbf16> to vector<192xbf16>
    %broadcast_in_dim3A_98 = vector.shape_cast %get3A_97 : vector<192xbf16> to vector<1x192xbf16>
    %mul3A_99 = vector.broadcast %broadcast_in_dim3A_98 : vector<1x192xbf16> to vector<512x192xbf16>
    %mul3A_100 = arith.mulf %mul3A_39, %mul3A_99 : vector<512x192xbf16>
    %add3A_101 = arith.addf %add3A_92, %mul3A_100 : vector<512x192xbf16>
    %get3A_102 = arith.constant 0 : index
    %get3A_103 = arith.constant 4 : index
    %get3A_104 = arith.constant 0 : index
    %get3A_105 = vector.load %arg5[%get3A_102, %get3A_103, %get3A_104] : memref<1x49x192xbf16, #tpu.memory_space<vmem>>, vector<1x1x192xbf16>
    %get3A_106 = vector.shape_cast %get3A_105 : vector<1x1x192xbf16> to vector<192xbf16>
    %broadcast_in_dim3A_107 = vector.shape_cast %get3A_106 : vector<192xbf16> to vector<1x192xbf16>
    %mul3A_108 = vector.broadcast %broadcast_in_dim3A_107 : vector<1x192xbf16> to vector<512x192xbf16>
    %mul3A_109 = arith.mulf %mul3A_47, %mul3A_108 : vector<512x192xbf16>
    %add3A_110 = arith.addf %add3A_101, %mul3A_109 : vector<512x192xbf16>
    %get3A_111 = arith.constant 0 : index
    %get3A_112 = arith.constant 5 : index
    %get3A_113 = arith.constant 0 : index
    %get3A_114 = vector.load %arg5[%get3A_111, %get3A_112, %get3A_113] : memref<1x49x192xbf16, #tpu.memory_space<vmem>>, vector<1x1x192xbf16>
    %get3A_115 = vector.shape_cast %get3A_114 : vector<1x1x192xbf16> to vector<192xbf16>
    %broadcast_in_dim3A_116 = vector.shape_cast %get3A_115 : vector<192xbf16> to vector<1x192xbf16>
    %mul3A_117 = vector.broadcast %broadcast_in_dim3A_116 : vector<1x192xbf16> to vector<512x192xbf16>
    %mul3A_118 = arith.mulf %mul3A_55, %mul3A_117 : vector<512x192xbf16>
    %add3A_119 = arith.addf %add3A_110, %mul3A_118 : vector<512x192xbf16>
    %get3A_120 = arith.constant 0 : index
    %get3A_121 = arith.constant 6 : index
    %get3A_122 = arith.constant 0 : index
    %get3A_123 = vector.load %arg5[%get3A_120, %get3A_121, %get3A_122] : memref<1x49x192xbf16, #tpu.memory_space<vmem>>, vector<1x1x192xbf16>
    %get3A_124 = vector.shape_cast %get3A_123 : vector<1x1x192xbf16> to vector<192xbf16>
    %broadcast_in_dim3A_125 = vector.shape_cast %get3A_124 : vector<192xbf16> to vector<1x192xbf16>
    %mul3A_126 = vector.broadcast %broadcast_in_dim3A_125 : vector<1x192xbf16> to vector<512x192xbf16>
    %mul3A_127 = arith.mulf %mul3A_63, %mul3A_126 : vector<512x192xbf16>
    %add3A_128 = arith.addf %add3A_119, %mul3A_127 : vector<512x192xbf16>
    %roll3A_129 = arith.constant 24 : i32
    %roll3A_130 = tpu.dynamic_rotate %add3A_128 by %roll3A_129 dim 0 : vector<512x192xbf16>, i32 -> vector<512x192xbf16>
    %get3A_131 = arith.constant 0 : index
    %get3A_132 = arith.constant 0 : index
    %get3A_133 = arith.constant 0 : index
    %get3A_134 = vector.load %arg4[%get3A_131, %get3A_132, %get3A_133] : memref<7x512x192xbf16, #tpu.memory_space<vmem>>, vector<1x512x192xbf16>
    %get3A_135 = vector.shape_cast %get3A_134 : vector<1x512x192xbf16> to vector<512x192xbf16>
    %mul3A_136 = arith.mulf %roll3A_130, %get3A_135 : vector<512x192xbf16>
    %add3A_137 = arith.addf %broadcast_in_dim3A_64, %mul3A_136 : vector<512x192xbf16>
    %broadcast_in_dim3A_138 = arith.constant 0.000000e+00 : bf16
    %broadcast_in_dim3A_139 = vector.broadcast %broadcast_in_dim3A_138 : bf16 to vector<512x192xbf16>
    %get3A_140 = arith.constant 0 : index
    %get3A_141 = arith.constant 7 : index
    %get3A_142 = arith.constant 0 : index
    %get3A_143 = vector.load %arg5[%get3A_140, %get3A_141, %get3A_142] : memref<1x49x192xbf16, #tpu.memory_space<vmem>>, vector<1x1x192xbf16>
    %get3A_144 = vector.shape_cast %get3A_143 : vector<1x1x192xbf16> to vector<192xbf16>
    %broadcast_in_dim3A_145 = vector.shape_cast %get3A_144 : vector<192xbf16> to vector<1x192xbf16>
    %mul3A_146 = vector.broadcast %broadcast_in_dim3A_145 : vector<1x192xbf16> to vector<512x192xbf16>
    %mul3A_147 = arith.mulf %mul3A, %mul3A_146 : vector<512x192xbf16>
    %add3A_148 = arith.addf %broadcast_in_dim3A_139, %mul3A_147 : vector<512x192xbf16>
    %get3A_149 = arith.constant 0 : index
    %get3A_150 = arith.constant 8 : index
    %get3A_151 = arith.constant 0 : index
    %get3A_152 = vector.load %arg5[%get3A_149, %get3A_150, %get3A_151] : memref<1x49x192xbf16, #tpu.memory_space<vmem>>, vector<1x1x192xbf16>
    %get3A_153 = vector.shape_cast %get3A_152 : vector<1x1x192xbf16> to vector<192xbf16>
    %broadcast_in_dim3A_154 = vector.shape_cast %get3A_153 : vector<192xbf16> to vector<1x192xbf16>
    %mul3A_155 = vector.broadcast %broadcast_in_dim3A_154 : vector<1x192xbf16> to vector<512x192xbf16>
    %mul3A_156 = arith.mulf %mul3A_23, %mul3A_155 : vector<512x192xbf16>
    %add3A_157 = arith.addf %add3A_148, %mul3A_156 : vector<512x192xbf16>
    %get3A_158 = arith.constant 0 : index
    %get3A_159 = arith.constant 9 : index
    %get3A_160 = arith.constant 0 : index
    %get3A_161 = vector.load %arg5[%get3A_158, %get3A_159, %get3A_160] : memref<1x49x192xbf16, #tpu.memory_space<vmem>>, vector<1x1x192xbf16>
    %get3A_162 = vector.shape_cast %get3A_161 : vector<1x1x192xbf16> to vector<192xbf16>
    %broadcast_in_dim3A_163 = vector.shape_cast %get3A_162 : vector<192xbf16> to vector<1x192xbf16>
    %mul3A_164 = vector.broadcast %broadcast_in_dim3A_163 : vector<1x192xbf16> to vector<512x192xbf16>
    %mul3A_165 = arith.mulf %mul3A_31, %mul3A_164 : vector<512x192xbf16>
    %add3A_166 = arith.addf %add3A_157, %mul3A_165 : vector<512x192xbf16>
    %get3A_167 = arith.constant 0 : index
    %get3A_168 = arith.constant 10 : index
    %get3A_169 = arith.constant 0 : index
    %get3A_170 = vector.load %arg5[%get3A_167, %get3A_168, %get3A_169] : memref<1x49x192xbf16, #tpu.memory_space<vmem>>, vector<1x1x192xbf16>
    %get3A_171 = vector.shape_cast %get3A_170 : vector<1x1x192xbf16> to vector<192xbf16>
    %broadcast_in_dim3A_172 = vector.shape_cast %get3A_171 : vector<192xbf16> to vector<1x192xbf16>
    %mul3A_173 = vector.broadcast %broadcast_in_dim3A_172 : vector<1x192xbf16> to vector<512x192xbf16>
    %mul3A_174 = arith.mulf %mul3A_39, %mul3A_173 : vector<512x192xbf16>
    %add3A_175 = arith.addf %add3A_166, %mul3A_174 : vector<512x192xbf16>
    %get3A_176 = arith.constant 0 : index
    %get3A_177 = arith.constant 11 : index
    %get3A_178 = arith.constant 0 : index
    %get3A_179 = vector.load %arg5[%get3A_176, %get3A_177, %get3A_178] : memref<1x49x192xbf16, #tpu.memory_space<vmem>>, vector<1x1x192xbf16>
    %get3A_180 = vector.shape_cast %get3A_179 : vector<1x1x192xbf16> to vector<192xbf16>
    %broadcast_in_dim3A_181 = vector.shape_cast %get3A_180 : vector<192xbf16> to vector<1x192xbf16>
    %mul3A_182 = vector.broadcast %broadcast_in_dim3A_181 : vector<1x192xbf16> to vector<512x192xbf16>
    %mul3A_183 = arith.mulf %mul3A_47, %mul3A_182 : vector<512x192xbf16>
    %add3A_184 = arith.addf %add3A_175, %mul3A_183 : vector<512x192xbf16>
    %get3A_185 = arith.constant 0 : index
    %get3A_186 = arith.constant 12 : index
    %get3A_187 = arith.constant 0 : index
    %get3A_188 = vector.load %arg5[%get3A_185, %get3A_186, %get3A_187] : memref<1x49x192xbf16, #tpu.memory_space<vmem>>, vector<1x1x192xbf16>
    %get3A_189 = vector.shape_cast %get3A_188 : vector<1x1x192xbf16> to vector<192xbf16>
    %broadcast_in_dim3A_190 = vector.shape_cast %get3A_189 : vector<192xbf16> to vector<1x192xbf16>
    %mul3A_191 = vector.broadcast %broadcast_in_dim3A_190 : vector<1x192xbf16> to vector<512x192xbf16>
    %mul3A_192 = arith.mulf %mul3A_55, %mul3A_191 : vector<512x192xbf16>
    %add3A_193 = arith.addf %add3A_184, %mul3A_192 : vector<512x192xbf16>
    %get3A_194 = arith.constant 0 : index
    %get3A_195 = arith.constant 13 : index
    %get3A_196 = arith.constant 0 : index
    %get3A_197 = vector.load %arg5[%get3A_194, %get3A_195, %get3A_196] : memref<1x49x192xbf16, #tpu.memory_space<vmem>>, vector<1x1x192xbf16>
    %get3A_198 = vector.shape_cast %get3A_197 : vector<1x1x192xbf16> to vector<192xbf16>
    %broadcast_in_dim3A_199 = vector.shape_cast %get3A_198 : vector<192xbf16> to vector<1x192xbf16>
    %mul3A_200 = vector.broadcast %broadcast_in_dim3A_199 : vector<1x192xbf16> to vector<512x192xbf16>
    %mul3A_201 = arith.mulf %mul3A_63, %mul3A_200 : vector<512x192xbf16>
    %add3A_202 = arith.addf %add3A_193, %mul3A_201 : vector<512x192xbf16>
    %roll3A_203 = arith.constant 16 : i32
    %roll3A_204 = tpu.dynamic_rotate %add3A_202 by %roll3A_203 dim 0 : vector<512x192xbf16>, i32 -> vector<512x192xbf16>
    %get3A_205 = arith.constant 1 : index
    %get3A_206 = arith.constant 0 : index
    %get3A_207 = arith.constant 0 : index
    %get3A_208 = vector.load %arg4[%get3A_205, %get3A_206, %get3A_207] : memref<7x512x192xbf16, #tpu.memory_space<vmem>>, vector<1x512x192xbf16>
    %get3A_209 = vector.shape_cast %get3A_208 : vector<1x512x192xbf16> to vector<512x192xbf16>
    %mul3A_210 = arith.mulf %roll3A_204, %get3A_209 : vector<512x192xbf16>
    %add3A_211 = arith.addf %add3A_137, %mul3A_210 : vector<512x192xbf16>
    %broadcast_in_dim3A_212 = arith.constant 0.000000e+00 : bf16
    %broadcast_in_dim3A_213 = vector.broadcast %broadcast_in_dim3A_212 : bf16 to vector<512x192xbf16>
    %get3A_214 = arith.constant 0 : index
    %get3A_215 = arith.constant 14 : index
    %get3A_216 = arith.constant 0 : index
    %get3A_217 = vector.load %arg5[%get3A_214, %get3A_215, %get3A_216] : memref<1x49x192xbf16, #tpu.memory_space<vmem>>, vector<1x1x192xbf16>
    %get3A_218 = vector.shape_cast %get3A_217 : vector<1x1x192xbf16> to vector<192xbf16>
    %broadcast_in_dim3A_219 = vector.shape_cast %get3A_218 : vector<192xbf16> to vector<1x192xbf16>
    %mul3A_220 = vector.broadcast %broadcast_in_dim3A_219 : vector<1x192xbf16> to vector<512x192xbf16>
    %mul3A_221 = arith.mulf %mul3A, %mul3A_220 : vector<512x192xbf16>
    %add3A_222 = arith.addf %broadcast_in_dim3A_213, %mul3A_221 : vector<512x192xbf16>
    %get3A_223 = arith.constant 0 : index
    %get3A_224 = arith.constant 15 : index
    %get3A_225 = arith.constant 0 : index
    %get3A_226 = vector.load %arg5[%get3A_223, %get3A_224, %get3A_225] : memref<1x49x192xbf16, #tpu.memory_space<vmem>>, vector<1x1x192xbf16>
    %get3A_227 = vector.shape_cast %get3A_226 : vector<1x1x192xbf16> to vector<192xbf16>
    %broadcast_in_dim3A_228 = vector.shape_cast %get3A_227 : vector<192xbf16> to vector<1x192xbf16>
    %mul3A_229 = vector.broadcast %broadcast_in_dim3A_228 : vector<1x192xbf16> to vector<512x192xbf16>
    %mul3A_230 = arith.mulf %mul3A_23, %mul3A_229 : vector<512x192xbf16>
    %add3A_231 = arith.addf %add3A_222, %mul3A_230 : vector<512x192xbf16>
    %get3A_232 = arith.constant 0 : index
    %get3A_233 = arith.constant 16 : index
    %get3A_234 = arith.constant 0 : index
    %get3A_235 = vector.load %arg5[%get3A_232, %get3A_233, %get3A_234] : memref<1x49x192xbf16, #tpu.memory_space<vmem>>, vector<1x1x192xbf16>
    %get3A_236 = vector.shape_cast %get3A_235 : vector<1x1x192xbf16> to vector<192xbf16>
    %broadcast_in_dim3A_237 = vector.shape_cast %get3A_236 : vector<192xbf16> to vector<1x192xbf16>
    %mul3A_238 = vector.broadcast %broadcast_in_dim3A_237 : vector<1x192xbf16> to vector<512x192xbf16>
    %mul3A_239 = arith.mulf %mul3A_31, %mul3A_238 : vector<512x192xbf16>
    %add3A_240 = arith.addf %add3A_231, %mul3A_239 : vector<512x192xbf16>
    %get3A_241 = arith.constant 0 : index
    %get3A_242 = arith.constant 17 : index
    %get3A_243 = arith.constant 0 : index
    %get3A_244 = vector.load %arg5[%get3A_241, %get3A_242, %get3A_243] : memref<1x49x192xbf16, #tpu.memory_space<vmem>>, vector<1x1x192xbf16>
    %get3A_245 = vector.shape_cast %get3A_244 : vector<1x1x192xbf16> to vector<192xbf16>
    %broadcast_in_dim3A_246 = vector.shape_cast %get3A_245 : vector<192xbf16> to vector<1x192xbf16>
    %mul3A_247 = vector.broadcast %broadcast_in_dim3A_246 : vector<1x192xbf16> to vector<512x192xbf16>
    %mul3A_248 = arith.mulf %mul3A_39, %mul3A_247 : vector<512x192xbf16>
    %add3A_249 = arith.addf %add3A_240, %mul3A_248 : vector<512x192xbf16>
    %get3A_250 = arith.constant 0 : index
    %get3A_251 = arith.constant 18 : index
    %get3A_252 = arith.constant 0 : index
    %get3A_253 = vector.load %arg5[%get3A_250, %get3A_251, %get3A_252] : memref<1x49x192xbf16, #tpu.memory_space<vmem>>, vector<1x1x192xbf16>
    %get3A_254 = vector.shape_cast %get3A_253 : vector<1x1x192xbf16> to vector<192xbf16>
    %broadcast_in_dim3A_255 = vector.shape_cast %get3A_254 : vector<192xbf16> to vector<1x192xbf16>
    %mul3A_256 = vector.broadcast %broadcast_in_dim3A_255 : vector<1x192xbf16> to vector<512x192xbf16>
    %mul3A_257 = arith.mulf %mul3A_47, %mul3A_256 : vector<512x192xbf16>
    %add3A_258 = arith.addf %add3A_249, %mul3A_257 : vector<512x192xbf16>
    %get3A_259 = arith.constant 0 : index
    %get3A_260 = arith.constant 19 : index
    %get3A_261 = arith.constant 0 : index
    %get3A_262 = vector.load %arg5[%get3A_259, %get3A_260, %get3A_261] : memref<1x49x192xbf16, #tpu.memory_space<vmem>>, vector<1x1x192xbf16>
    %get3A_263 = vector.shape_cast %get3A_262 : vector<1x1x192xbf16> to vector<192xbf16>
    %broadcast_in_dim3A_264 = vector.shape_cast %get3A_263 : vector<192xbf16> to vector<1x192xbf16>
    %mul3A_265 = vector.broadcast %broadcast_in_dim3A_264 : vector<1x192xbf16> to vector<512x192xbf16>
    %mul3A_266 = arith.mulf %mul3A_55, %mul3A_265 : vector<512x192xbf16>
    %add3A_267 = arith.addf %add3A_258, %mul3A_266 : vector<512x192xbf16>
    %get3A_268 = arith.constant 0 : index
    %get3A_269 = arith.constant 20 : index
    %get3A_270 = arith.constant 0 : index
    %get3A_271 = vector.load %arg5[%get3A_268, %get3A_269, %get3A_270] : memref<1x49x192xbf16, #tpu.memory_space<vmem>>, vector<1x1x192xbf16>
    %get3A_272 = vector.shape_cast %get3A_271 : vector<1x1x192xbf16> to vector<192xbf16>
    %broadcast_in_dim3A_273 = vector.shape_cast %get3A_272 : vector<192xbf16> to vector<1x192xbf16>
    %mul3A_274 = vector.broadcast %broadcast_in_dim3A_273 : vector<1x192xbf16> to vector<512x192xbf16>
    %mul3A_275 = arith.mulf %mul3A_63, %mul3A_274 : vector<512x192xbf16>
    %add3A_276 = arith.addf %add3A_267, %mul3A_275 : vector<512x192xbf16>
    %roll3A_277 = arith.constant 8 : i32
    %roll3A_278 = tpu.dynamic_rotate %add3A_276 by %roll3A_277 dim 0 : vector<512x192xbf16>, i32 -> vector<512x192xbf16>
    %get3A_279 = arith.constant 2 : index
    %get3A_280 = arith.constant 0 : index
    %get3A_281 = arith.constant 0 : index
    %get3A_282 = vector.load %arg4[%get3A_279, %get3A_280, %get3A_281] : memref<7x512x192xbf16, #tpu.memory_space<vmem>>, vector<1x512x192xbf16>
    %get3A_283 = vector.shape_cast %get3A_282 : vector<1x512x192xbf16> to vector<512x192xbf16>
    %mul3A_284 = arith.mulf %roll3A_278, %get3A_283 : vector<512x192xbf16>
    %add3A_285 = arith.addf %add3A_211, %mul3A_284 : vector<512x192xbf16>
    %broadcast_in_dim3A_286 = arith.constant 0.000000e+00 : bf16
    %broadcast_in_dim3A_287 = vector.broadcast %broadcast_in_dim3A_286 : bf16 to vector<512x192xbf16>
    %get3A_288 = arith.constant 0 : index
    %get3A_289 = arith.constant 21 : index
    %get3A_290 = arith.constant 0 : index
    %get3A_291 = vector.load %arg5[%get3A_288, %get3A_289, %get3A_290] : memref<1x49x192xbf16, #tpu.memory_space<vmem>>, vector<1x1x192xbf16>
    %get3A_292 = vector.shape_cast %get3A_291 : vector<1x1x192xbf16> to vector<192xbf16>
    %broadcast_in_dim3A_293 = vector.shape_cast %get3A_292 : vector<192xbf16> to vector<1x192xbf16>
    %mul3A_294 = vector.broadcast %broadcast_in_dim3A_293 : vector<1x192xbf16> to vector<512x192xbf16>
    %mul3A_295 = arith.mulf %mul3A, %mul3A_294 : vector<512x192xbf16>
    %add3A_296 = arith.addf %broadcast_in_dim3A_287, %mul3A_295 : vector<512x192xbf16>
    %get3A_297 = arith.constant 0 : index
    %get3A_298 = arith.constant 22 : index
    %get3A_299 = arith.constant 0 : index
    %get3A_300 = vector.load %arg5[%get3A_297, %get3A_298, %get3A_299] : memref<1x49x192xbf16, #tpu.memory_space<vmem>>, vector<1x1x192xbf16>
    %get3A_301 = vector.shape_cast %get3A_300 : vector<1x1x192xbf16> to vector<192xbf16>
    %broadcast_in_dim3A_302 = vector.shape_cast %get3A_301 : vector<192xbf16> to vector<1x192xbf16>
    %mul3A_303 = vector.broadcast %broadcast_in_dim3A_302 : vector<1x192xbf16> to vector<512x192xbf16>
    %mul3A_304 = arith.mulf %mul3A_23, %mul3A_303 : vector<512x192xbf16>
    %add3A_305 = arith.addf %add3A_296, %mul3A_304 : vector<512x192xbf16>
    %get3A_306 = arith.constant 0 : index
    %get3A_307 = arith.constant 23 : index
    %get3A_308 = arith.constant 0 : index
    %get3A_309 = vector.load %arg5[%get3A_306, %get3A_307, %get3A_308] : memref<1x49x192xbf16, #tpu.memory_space<vmem>>, vector<1x1x192xbf16>
    %get3A_310 = vector.shape_cast %get3A_309 : vector<1x1x192xbf16> to vector<192xbf16>
    %broadcast_in_dim3A_311 = vector.shape_cast %get3A_310 : vector<192xbf16> to vector<1x192xbf16>
    %mul3A_312 = vector.broadcast %broadcast_in_dim3A_311 : vector<1x192xbf16> to vector<512x192xbf16>
    %mul3A_313 = arith.mulf %mul3A_31, %mul3A_312 : vector<512x192xbf16>
    %add3A_314 = arith.addf %add3A_305, %mul3A_313 : vector<512x192xbf16>
    %get3A_315 = arith.constant 0 : index
    %get3A_316 = arith.constant 24 : index
    %get3A_317 = arith.constant 0 : index
    %get3A_318 = vector.load %arg5[%get3A_315, %get3A_316, %get3A_317] : memref<1x49x192xbf16, #tpu.memory_space<vmem>>, vector<1x1x192xbf16>
    %get3A_319 = vector.shape_cast %get3A_318 : vector<1x1x192xbf16> to vector<192xbf16>
    %broadcast_in_dim3A_320 = vector.shape_cast %get3A_319 : vector<192xbf16> to vector<1x192xbf16>
    %mul3A_321 = vector.broadcast %broadcast_in_dim3A_320 : vector<1x192xbf16> to vector<512x192xbf16>
    %mul3A_322 = arith.mulf %mul3A_39, %mul3A_321 : vector<512x192xbf16>
    %add3A_323 = arith.addf %add3A_314, %mul3A_322 : vector<512x192xbf16>
    %get3A_324 = arith.constant 0 : index
    %get3A_325 = arith.constant 25 : index
    %get3A_326 = arith.constant 0 : index
    %get3A_327 = vector.load %arg5[%get3A_324, %get3A_325, %get3A_326] : memref<1x49x192xbf16, #tpu.memory_space<vmem>>, vector<1x1x192xbf16>
    %get3A_328 = vector.shape_cast %get3A_327 : vector<1x1x192xbf16> to vector<192xbf16>
    %broadcast_in_dim3A_329 = vector.shape_cast %get3A_328 : vector<192xbf16> to vector<1x192xbf16>
    %mul3A_330 = vector.broadcast %broadcast_in_dim3A_329 : vector<1x192xbf16> to vector<512x192xbf16>
    %mul3A_331 = arith.mulf %mul3A_47, %mul3A_330 : vector<512x192xbf16>
    %add3A_332 = arith.addf %add3A_323, %mul3A_331 : vector<512x192xbf16>
    %get3A_333 = arith.constant 0 : index
    %get3A_334 = arith.constant 26 : index
    %get3A_335 = arith.constant 0 : index
    %get3A_336 = vector.load %arg5[%get3A_333, %get3A_334, %get3A_335] : memref<1x49x192xbf16, #tpu.memory_space<vmem>>, vector<1x1x192xbf16>
    %get3A_337 = vector.shape_cast %get3A_336 : vector<1x1x192xbf16> to vector<192xbf16>
    %broadcast_in_dim3A_338 = vector.shape_cast %get3A_337 : vector<192xbf16> to vector<1x192xbf16>
    %mul3A_339 = vector.broadcast %broadcast_in_dim3A_338 : vector<1x192xbf16> to vector<512x192xbf16>
    %mul3A_340 = arith.mulf %mul3A_55, %mul3A_339 : vector<512x192xbf16>
    %add3A_341 = arith.addf %add3A_332, %mul3A_340 : vector<512x192xbf16>
    %get3A_342 = arith.constant 0 : index
    %get3A_343 = arith.constant 27 : index
    %get3A_344 = arith.constant 0 : index
    %get3A_345 = vector.load %arg5[%get3A_342, %get3A_343, %get3A_344] : memref<1x49x192xbf16, #tpu.memory_space<vmem>>, vector<1x1x192xbf16>
    %get3A_346 = vector.shape_cast %get3A_345 : vector<1x1x192xbf16> to vector<192xbf16>
    %broadcast_in_dim3A_347 = vector.shape_cast %get3A_346 : vector<192xbf16> to vector<1x192xbf16>
    %mul3A_348 = vector.broadcast %broadcast_in_dim3A_347 : vector<1x192xbf16> to vector<512x192xbf16>
    %mul3A_349 = arith.mulf %mul3A_63, %mul3A_348 : vector<512x192xbf16>
    %add3A_350 = arith.addf %add3A_341, %mul3A_349 : vector<512x192xbf16>
    %roll3A_351 = arith.constant 0 : i32
    %roll3A_352 = tpu.dynamic_rotate %add3A_350 by %roll3A_351 dim 0 : vector<512x192xbf16>, i32 -> vector<512x192xbf16>
    %get3A_353 = arith.constant 3 : index
    %get3A_354 = arith.constant 0 : index
    %get3A_355 = arith.constant 0 : index
    %get3A_356 = vector.load %arg4[%get3A_353, %get3A_354, %get3A_355] : memref<7x512x192xbf16, #tpu.memory_space<vmem>>, vector<1x512x192xbf16>
    %get3A_357 = vector.shape_cast %get3A_356 : vector<1x512x192xbf16> to vector<512x192xbf16>
    %mul3A_358 = arith.mulf %roll3A_352, %get3A_357 : vector<512x192xbf16>
    %add3A_359 = arith.addf %add3A_285, %mul3A_358 : vector<512x192xbf16>
    %broadcast_in_dim3A_360 = arith.constant 0.000000e+00 : bf16
    %broadcast_in_dim3A_361 = vector.broadcast %broadcast_in_dim3A_360 : bf16 to vector<512x192xbf16>
    %get3A_362 = arith.constant 0 : index
    %get3A_363 = arith.constant 28 : index
    %get3A_364 = arith.constant 0 : index
    %get3A_365 = vector.load %arg5[%get3A_362, %get3A_363, %get3A_364] : memref<1x49x192xbf16, #tpu.memory_space<vmem>>, vector<1x1x192xbf16>
    %get3A_366 = vector.shape_cast %get3A_365 : vector<1x1x192xbf16> to vector<192xbf16>
    %broadcast_in_dim3A_367 = vector.shape_cast %get3A_366 : vector<192xbf16> to vector<1x192xbf16>
    %mul3A_368 = vector.broadcast %broadcast_in_dim3A_367 : vector<1x192xbf16> to vector<512x192xbf16>
    %mul3A_369 = arith.mulf %mul3A, %mul3A_368 : vector<512x192xbf16>
    %add3A_370 = arith.addf %broadcast_in_dim3A_361, %mul3A_369 : vector<512x192xbf16>
    %get3A_371 = arith.constant 0 : index
    %get3A_372 = arith.constant 29 : index
    %get3A_373 = arith.constant 0 : index
    %get3A_374 = vector.load %arg5[%get3A_371, %get3A_372, %get3A_373] : memref<1x49x192xbf16, #tpu.memory_space<vmem>>, vector<1x1x192xbf16>
    %get3A_375 = vector.shape_cast %get3A_374 : vector<1x1x192xbf16> to vector<192xbf16>
    %broadcast_in_dim3A_376 = vector.shape_cast %get3A_375 : vector<192xbf16> to vector<1x192xbf16>
    %mul3A_377 = vector.broadcast %broadcast_in_dim3A_376 : vector<1x192xbf16> to vector<512x192xbf16>
    %mul3A_378 = arith.mulf %mul3A_23, %mul3A_377 : vector<512x192xbf16>
    %add3A_379 = arith.addf %add3A_370, %mul3A_378 : vector<512x192xbf16>
    %get3A_380 = arith.constant 0 : index
    %get3A_381 = arith.constant 30 : index
    %get3A_382 = arith.constant 0 : index
    %get3A_383 = vector.load %arg5[%get3A_380, %get3A_381, %get3A_382] : memref<1x49x192xbf16, #tpu.memory_space<vmem>>, vector<1x1x192xbf16>
    %get3A_384 = vector.shape_cast %get3A_383 : vector<1x1x192xbf16> to vector<192xbf16>
    %broadcast_in_dim3A_385 = vector.shape_cast %get3A_384 : vector<192xbf16> to vector<1x192xbf16>
    %mul3A_386 = vector.broadcast %broadcast_in_dim3A_385 : vector<1x192xbf16> to vector<512x192xbf16>
    %mul3A_387 = arith.mulf %mul3A_31, %mul3A_386 : vector<512x192xbf16>
    %add3A_388 = arith.addf %add3A_379, %mul3A_387 : vector<512x192xbf16>
    %get3A_389 = arith.constant 0 : index
    %get3A_390 = arith.constant 31 : index
    %get3A_391 = arith.constant 0 : index
    %get3A_392 = vector.load %arg5[%get3A_389, %get3A_390, %get3A_391] : memref<1x49x192xbf16, #tpu.memory_space<vmem>>, vector<1x1x192xbf16>
    %get3A_393 = vector.shape_cast %get3A_392 : vector<1x1x192xbf16> to vector<192xbf16>
    %broadcast_in_dim3A_394 = vector.shape_cast %get3A_393 : vector<192xbf16> to vector<1x192xbf16>
    %mul3A_395 = vector.broadcast %broadcast_in_dim3A_394 : vector<1x192xbf16> to vector<512x192xbf16>
    %mul3A_396 = arith.mulf %mul3A_39, %mul3A_395 : vector<512x192xbf16>
    %add3A_397 = arith.addf %add3A_388, %mul3A_396 : vector<512x192xbf16>
    %get3A_398 = arith.constant 0 : index
    %get3A_399 = arith.constant 32 : index
    %get3A_400 = arith.constant 0 : index
    %get3A_401 = vector.load %arg5[%get3A_398, %get3A_399, %get3A_400] : memref<1x49x192xbf16, #tpu.memory_space<vmem>>, vector<1x1x192xbf16>
    %get3A_402 = vector.shape_cast %get3A_401 : vector<1x1x192xbf16> to vector<192xbf16>
    %broadcast_in_dim3A_403 = vector.shape_cast %get3A_402 : vector<192xbf16> to vector<1x192xbf16>
    %mul3A_404 = vector.broadcast %broadcast_in_dim3A_403 : vector<1x192xbf16> to vector<512x192xbf16>
    %mul3A_405 = arith.mulf %mul3A_47, %mul3A_404 : vector<512x192xbf16>
    %add3A_406 = arith.addf %add3A_397, %mul3A_405 : vector<512x192xbf16>
    %get3A_407 = arith.constant 0 : index
    %get3A_408 = arith.constant 33 : index
    %get3A_409 = arith.constant 0 : index
    %get3A_410 = vector.load %arg5[%get3A_407, %get3A_408, %get3A_409] : memref<1x49x192xbf16, #tpu.memory_space<vmem>>, vector<1x1x192xbf16>
    %get3A_411 = vector.shape_cast %get3A_410 : vector<1x1x192xbf16> to vector<192xbf16>
    %broadcast_in_dim3A_412 = vector.shape_cast %get3A_411 : vector<192xbf16> to vector<1x192xbf16>
    %mul3A_413 = vector.broadcast %broadcast_in_dim3A_412 : vector<1x192xbf16> to vector<512x192xbf16>
    %mul3A_414 = arith.mulf %mul3A_55, %mul3A_413 : vector<512x192xbf16>
    %add3A_415 = arith.addf %add3A_406, %mul3A_414 : vector<512x192xbf16>
    %get3A_416 = arith.constant 0 : index
    %get3A_417 = arith.constant 34 : index
    %get3A_418 = arith.constant 0 : index
    %get3A_419 = vector.load %arg5[%get3A_416, %get3A_417, %get3A_418] : memref<1x49x192xbf16, #tpu.memory_space<vmem>>, vector<1x1x192xbf16>
    %get3A_420 = vector.shape_cast %get3A_419 : vector<1x1x192xbf16> to vector<192xbf16>
    %broadcast_in_dim3A_421 = vector.shape_cast %get3A_420 : vector<192xbf16> to vector<1x192xbf16>
    %mul3A_422 = vector.broadcast %broadcast_in_dim3A_421 : vector<1x192xbf16> to vector<512x192xbf16>
    %mul3A_423 = arith.mulf %mul3A_63, %mul3A_422 : vector<512x192xbf16>
    %add3A_424 = arith.addf %add3A_415, %mul3A_423 : vector<512x192xbf16>
    %roll3A_425 = arith.constant 504 : i32
    %roll3A_426 = tpu.dynamic_rotate %add3A_424 by %roll3A_425 dim 0 : vector<512x192xbf16>, i32 -> vector<512x192xbf16>
    %get3A_427 = arith.constant 4 : index
    %get3A_428 = arith.constant 0 : index
    %get3A_429 = arith.constant 0 : index
    %get3A_430 = vector.load %arg4[%get3A_427, %get3A_428, %get3A_429] : memref<7x512x192xbf16, #tpu.memory_space<vmem>>, vector<1x512x192xbf16>
    %get3A_431 = vector.shape_cast %get3A_430 : vector<1x512x192xbf16> to vector<512x192xbf16>
    %mul3A_432 = arith.mulf %roll3A_426, %get3A_431 : vector<512x192xbf16>
    %add3A_433 = arith.addf %add3A_359, %mul3A_432 : vector<512x192xbf16>
    %broadcast_in_dim3A_434 = arith.constant 0.000000e+00 : bf16
    %broadcast_in_dim3A_435 = vector.broadcast %broadcast_in_dim3A_434 : bf16 to vector<512x192xbf16>
    %get3A_436 = arith.constant 0 : index
    %get3A_437 = arith.constant 35 : index
    %get3A_438 = arith.constant 0 : index
    %get3A_439 = vector.load %arg5[%get3A_436, %get3A_437, %get3A_438] : memref<1x49x192xbf16, #tpu.memory_space<vmem>>, vector<1x1x192xbf16>
    %get3A_440 = vector.shape_cast %get3A_439 : vector<1x1x192xbf16> to vector<192xbf16>
    %broadcast_in_dim3A_441 = vector.shape_cast %get3A_440 : vector<192xbf16> to vector<1x192xbf16>
    %mul3A_442 = vector.broadcast %broadcast_in_dim3A_441 : vector<1x192xbf16> to vector<512x192xbf16>
    %mul3A_443 = arith.mulf %mul3A, %mul3A_442 : vector<512x192xbf16>
    %add3A_444 = arith.addf %broadcast_in_dim3A_435, %mul3A_443 : vector<512x192xbf16>
    %get3A_445 = arith.constant 0 : index
    %get3A_446 = arith.constant 36 : index
    %get3A_447 = arith.constant 0 : index
    %get3A_448 = vector.load %arg5[%get3A_445, %get3A_446, %get3A_447] : memref<1x49x192xbf16, #tpu.memory_space<vmem>>, vector<1x1x192xbf16>
    %get3A_449 = vector.shape_cast %get3A_448 : vector<1x1x192xbf16> to vector<192xbf16>
    %broadcast_in_dim3A_450 = vector.shape_cast %get3A_449 : vector<192xbf16> to vector<1x192xbf16>
    %mul3A_451 = vector.broadcast %broadcast_in_dim3A_450 : vector<1x192xbf16> to vector<512x192xbf16>
    %mul3A_452 = arith.mulf %mul3A_23, %mul3A_451 : vector<512x192xbf16>
    %add3A_453 = arith.addf %add3A_444, %mul3A_452 : vector<512x192xbf16>
    %get3A_454 = arith.constant 0 : index
    %get3A_455 = arith.constant 37 : index
    %get3A_456 = arith.constant 0 : index
    %get3A_457 = vector.load %arg5[%get3A_454, %get3A_455, %get3A_456] : memref<1x49x192xbf16, #tpu.memory_space<vmem>>, vector<1x1x192xbf16>
    %get3A_458 = vector.shape_cast %get3A_457 : vector<1x1x192xbf16> to vector<192xbf16>
    %broadcast_in_dim3A_459 = vector.shape_cast %get3A_458 : vector<192xbf16> to vector<1x192xbf16>
    %mul3A_460 = vector.broadcast %broadcast_in_dim3A_459 : vector<1x192xbf16> to vector<512x192xbf16>
    %mul3A_461 = arith.mulf %mul3A_31, %mul3A_460 : vector<512x192xbf16>
    %add3A_462 = arith.addf %add3A_453, %mul3A_461 : vector<512x192xbf16>
    %get3A_463 = arith.constant 0 : index
    %get3A_464 = arith.constant 38 : index
    %get3A_465 = arith.constant 0 : index
    %get3A_466 = vector.load %arg5[%get3A_463, %get3A_464, %get3A_465] : memref<1x49x192xbf16, #tpu.memory_space<vmem>>, vector<1x1x192xbf16>
    %get3A_467 = vector.shape_cast %get3A_466 : vector<1x1x192xbf16> to vector<192xbf16>
    %broadcast_in_dim3A_468 = vector.shape_cast %get3A_467 : vector<192xbf16> to vector<1x192xbf16>
    %mul3A_469 = vector.broadcast %broadcast_in_dim3A_468 : vector<1x192xbf16> to vector<512x192xbf16>
    %mul3A_470 = arith.mulf %mul3A_39, %mul3A_469 : vector<512x192xbf16>
    %add3A_471 = arith.addf %add3A_462, %mul3A_470 : vector<512x192xbf16>
    %get3A_472 = arith.constant 0 : index
    %get3A_473 = arith.constant 39 : index
    %get3A_474 = arith.constant 0 : index
    %get3A_475 = vector.load %arg5[%get3A_472, %get3A_473, %get3A_474] : memref<1x49x192xbf16, #tpu.memory_space<vmem>>, vector<1x1x192xbf16>
    %get3A_476 = vector.shape_cast %get3A_475 : vector<1x1x192xbf16> to vector<192xbf16>
    %broadcast_in_dim3A_477 = vector.shape_cast %get3A_476 : vector<192xbf16> to vector<1x192xbf16>
    %mul3A_478 = vector.broadcast %broadcast_in_dim3A_477 : vector<1x192xbf16> to vector<512x192xbf16>
    %mul3A_479 = arith.mulf %mul3A_47, %mul3A_478 : vector<512x192xbf16>
    %add3A_480 = arith.addf %add3A_471, %mul3A_479 : vector<512x192xbf16>
    %get3A_481 = arith.constant 0 : index
    %get3A_482 = arith.constant 40 : index
    %get3A_483 = arith.constant 0 : index
    %get3A_484 = vector.load %arg5[%get3A_481, %get3A_482, %get3A_483] : memref<1x49x192xbf16, #tpu.memory_space<vmem>>, vector<1x1x192xbf16>
    %get3A_485 = vector.shape_cast %get3A_484 : vector<1x1x192xbf16> to vector<192xbf16>
    %broadcast_in_dim3A_486 = vector.shape_cast %get3A_485 : vector<192xbf16> to vector<1x192xbf16>
    %mul3A_487 = vector.broadcast %broadcast_in_dim3A_486 : vector<1x192xbf16> to vector<512x192xbf16>
    %mul3A_488 = arith.mulf %mul3A_55, %mul3A_487 : vector<512x192xbf16>
    %add3A_489 = arith.addf %add3A_480, %mul3A_488 : vector<512x192xbf16>
    %get3A_490 = arith.constant 0 : index
    %get3A_491 = arith.constant 41 : index
    %get3A_492 = arith.constant 0 : index
    %get3A_493 = vector.load %arg5[%get3A_490, %get3A_491, %get3A_492] : memref<1x49x192xbf16, #tpu.memory_space<vmem>>, vector<1x1x192xbf16>
    %get3A_494 = vector.shape_cast %get3A_493 : vector<1x1x192xbf16> to vector<192xbf16>
    %broadcast_in_dim3A_495 = vector.shape_cast %get3A_494 : vector<192xbf16> to vector<1x192xbf16>
    %mul3A_496 = vector.broadcast %broadcast_in_dim3A_495 : vector<1x192xbf16> to vector<512x192xbf16>
    %mul3A_497 = arith.mulf %mul3A_63, %mul3A_496 : vector<512x192xbf16>
    %add3A_498 = arith.addf %add3A_489, %mul3A_497 : vector<512x192xbf16>
    %roll3A_499 = arith.constant 496 : i32
    %roll3A_500 = tpu.dynamic_rotate %add3A_498 by %roll3A_499 dim 0 : vector<512x192xbf16>, i32 -> vector<512x192xbf16>
    %get3A_501 = arith.constant 5 : index
    %get3A_502 = arith.constant 0 : index
    %get3A_503 = arith.constant 0 : index
    %get3A_504 = vector.load %arg4[%get3A_501, %get3A_502, %get3A_503] : memref<7x512x192xbf16, #tpu.memory_space<vmem>>, vector<1x512x192xbf16>
    %get3A_505 = vector.shape_cast %get3A_504 : vector<1x512x192xbf16> to vector<512x192xbf16>
    %mul3A_506 = arith.mulf %roll3A_500, %get3A_505 : vector<512x192xbf16>
    %add3A_507 = arith.addf %add3A_433, %mul3A_506 : vector<512x192xbf16>
    %broadcast_in_dim3A_508 = arith.constant 0.000000e+00 : bf16
    %broadcast_in_dim3A_509 = vector.broadcast %broadcast_in_dim3A_508 : bf16 to vector<512x192xbf16>
    %get3A_510 = arith.constant 0 : index
    %get3A_511 = arith.constant 42 : index
    %get3A_512 = arith.constant 0 : index
    %get3A_513 = vector.load %arg5[%get3A_510, %get3A_511, %get3A_512] : memref<1x49x192xbf16, #tpu.memory_space<vmem>>, vector<1x1x192xbf16>
    %get3A_514 = vector.shape_cast %get3A_513 : vector<1x1x192xbf16> to vector<192xbf16>
    %broadcast_in_dim3A_515 = vector.shape_cast %get3A_514 : vector<192xbf16> to vector<1x192xbf16>
    %mul3A_516 = vector.broadcast %broadcast_in_dim3A_515 : vector<1x192xbf16> to vector<512x192xbf16>
    %mul3A_517 = arith.mulf %mul3A, %mul3A_516 : vector<512x192xbf16>
    %add3A_518 = arith.addf %broadcast_in_dim3A_509, %mul3A_517 : vector<512x192xbf16>
    %get3A_519 = arith.constant 0 : index
    %get3A_520 = arith.constant 43 : index
    %get3A_521 = arith.constant 0 : index
    %get3A_522 = vector.load %arg5[%get3A_519, %get3A_520, %get3A_521] : memref<1x49x192xbf16, #tpu.memory_space<vmem>>, vector<1x1x192xbf16>
    %get3A_523 = vector.shape_cast %get3A_522 : vector<1x1x192xbf16> to vector<192xbf16>
    %broadcast_in_dim3A_524 = vector.shape_cast %get3A_523 : vector<192xbf16> to vector<1x192xbf16>
    %mul3A_525 = vector.broadcast %broadcast_in_dim3A_524 : vector<1x192xbf16> to vector<512x192xbf16>
    %mul3A_526 = arith.mulf %mul3A_23, %mul3A_525 : vector<512x192xbf16>
    %add3A_527 = arith.addf %add3A_518, %mul3A_526 : vector<512x192xbf16>
    %get3A_528 = arith.constant 0 : index
    %get3A_529 = arith.constant 44 : index
    %get3A_530 = arith.constant 0 : index
    %get3A_531 = vector.load %arg5[%get3A_528, %get3A_529, %get3A_530] : memref<1x49x192xbf16, #tpu.memory_space<vmem>>, vector<1x1x192xbf16>
    %get3A_532 = vector.shape_cast %get3A_531 : vector<1x1x192xbf16> to vector<192xbf16>
    %broadcast_in_dim3A_533 = vector.shape_cast %get3A_532 : vector<192xbf16> to vector<1x192xbf16>
    %mul3A_534 = vector.broadcast %broadcast_in_dim3A_533 : vector<1x192xbf16> to vector<512x192xbf16>
    %mul3A_535 = arith.mulf %mul3A_31, %mul3A_534 : vector<512x192xbf16>
    %add3A_536 = arith.addf %add3A_527, %mul3A_535 : vector<512x192xbf16>
    %get3A_537 = arith.constant 0 : index
    %get3A_538 = arith.constant 45 : index
    %get3A_539 = arith.constant 0 : index
    %get3A_540 = vector.load %arg5[%get3A_537, %get3A_538, %get3A_539] : memref<1x49x192xbf16, #tpu.memory_space<vmem>>, vector<1x1x192xbf16>
    %get3A_541 = vector.shape_cast %get3A_540 : vector<1x1x192xbf16> to vector<192xbf16>
    %broadcast_in_dim3A_542 = vector.shape_cast %get3A_541 : vector<192xbf16> to vector<1x192xbf16>
    %mul3A_543 = vector.broadcast %broadcast_in_dim3A_542 : vector<1x192xbf16> to vector<512x192xbf16>
    %mul3A_544 = arith.mulf %mul3A_39, %mul3A_543 : vector<512x192xbf16>
    %add3A_545 = arith.addf %add3A_536, %mul3A_544 : vector<512x192xbf16>
    %get3A_546 = arith.constant 0 : index
    %get3A_547 = arith.constant 46 : index
    %get3A_548 = arith.constant 0 : index
    %get3A_549 = vector.load %arg5[%get3A_546, %get3A_547, %get3A_548] : memref<1x49x192xbf16, #tpu.memory_space<vmem>>, vector<1x1x192xbf16>
    %get3A_550 = vector.shape_cast %get3A_549 : vector<1x1x192xbf16> to vector<192xbf16>
    %broadcast_in_dim3A_551 = vector.shape_cast %get3A_550 : vector<192xbf16> to vector<1x192xbf16>
    %mul3A_552 = vector.broadcast %broadcast_in_dim3A_551 : vector<1x192xbf16> to vector<512x192xbf16>
    %mul3A_553 = arith.mulf %mul3A_47, %mul3A_552 : vector<512x192xbf16>
    %add3A_554 = arith.addf %add3A_545, %mul3A_553 : vector<512x192xbf16>
    %get3A_555 = arith.constant 0 : index
    %get3A_556 = arith.constant 47 : index
    %get3A_557 = arith.constant 0 : index
    %get3A_558 = vector.load %arg5[%get3A_555, %get3A_556, %get3A_557] : memref<1x49x192xbf16, #tpu.memory_space<vmem>>, vector<1x1x192xbf16>
    %get3A_559 = vector.shape_cast %get3A_558 : vector<1x1x192xbf16> to vector<192xbf16>
    %broadcast_in_dim3A_560 = vector.shape_cast %get3A_559 : vector<192xbf16> to vector<1x192xbf16>
    %mul3A_561 = vector.broadcast %broadcast_in_dim3A_560 : vector<1x192xbf16> to vector<512x192xbf16>
    %mul3A_562 = arith.mulf %mul3A_55, %mul3A_561 : vector<512x192xbf16>
    %add3A_563 = arith.addf %add3A_554, %mul3A_562 : vector<512x192xbf16>
    %get3A_564 = arith.constant 0 : index
    %get3A_565 = arith.constant 48 : index
    %get3A_566 = arith.constant 0 : index
    %get3A_567 = vector.load %arg5[%get3A_564, %get3A_565, %get3A_566] : memref<1x49x192xbf16, #tpu.memory_space<vmem>>, vector<1x1x192xbf16>
    %get3A_568 = vector.shape_cast %get3A_567 : vector<1x1x192xbf16> to vector<192xbf16>
    %broadcast_in_dim3A_569 = vector.shape_cast %get3A_568 : vector<192xbf16> to vector<1x192xbf16>
    %mul3A_570 = vector.broadcast %broadcast_in_dim3A_569 : vector<1x192xbf16> to vector<512x192xbf16>
    %mul3A_571 = arith.mulf %mul3A_63, %mul3A_570 : vector<512x192xbf16>
    %add3A_572 = arith.addf %add3A_563, %mul3A_571 : vector<512x192xbf16>
    %roll3A_573 = arith.constant 488 : i32
    %roll3A_574 = tpu.dynamic_rotate %add3A_572 by %roll3A_573 dim 0 : vector<512x192xbf16>, i32 -> vector<512x192xbf16>
    %get3A_575 = arith.constant 6 : index
    %get3A_576 = arith.constant 0 : index
    %get3A_577 = arith.constant 0 : index
    %get3A_578 = vector.load %arg4[%get3A_575, %get3A_576, %get3A_577] : memref<7x512x192xbf16, #tpu.memory_space<vmem>>, vector<1x512x192xbf16>
    %get3A_579 = vector.shape_cast %get3A_578 : vector<1x512x192xbf16> to vector<512x192xbf16>
    %mul3A_580 = arith.mulf %roll3A_574, %get3A_579 : vector<512x192xbf16>
    %add3A_581 = arith.addf %add3A_507, %mul3A_580 : vector<512x192xbf16>
    %convert_element_type3A = arith.extf %add3A_581 : vector<512x192xbf16> to vector<512x192xf32>
    %reshape3A = vector.shape_cast %convert_element_type3A : vector<512x192xf32> to vector<8x64x192xf32>
    %reduce_sum3A = arith.constant dense<0.000000e+00> : vector<8x192xf32>
    %reduce_sum3A_582 = vector.multi_reduction <add>, %reshape3A, %reduce_sum3A [1] : vector<8x64x192xf32> to vector<8x192xf32>
    %broadcast_in_dim3A_583 = vector.shape_cast %reduce_sum3A_582 : vector<8x192xf32> to vector<8x1x192xf32>
    %div3A = arith.constant 6.400000e+01 : f32
    %div3A_584 = vector.broadcast %div3A : f32 to vector<8x1x192xf32>
    %div3A_585 = arith.divf %broadcast_in_dim3A_583, %div3A_584 : vector<8x1x192xf32>
    %mul3A_586 = arith.mulf %reshape3A, %reshape3A : vector<8x64x192xf32>
    %reduce_sum3A_587 = arith.constant dense<0.000000e+00> : vector<8x192xf32>
    %reduce_sum3A_588 = vector.multi_reduction <add>, %mul3A_586, %reduce_sum3A_587 [1] : vector<8x64x192xf32> to vector<8x192xf32>
    %broadcast_in_dim3A_589 = vector.shape_cast %reduce_sum3A_588 : vector<8x192xf32> to vector<8x1x192xf32>
    %div3A_590 = arith.constant 6.400000e+01 : f32
    %div3A_591 = vector.broadcast %div3A_590 : f32 to vector<8x1x192xf32>
    %div3A_592 = arith.divf %broadcast_in_dim3A_589, %div3A_591 : vector<8x1x192xf32>
    %mul3A_593 = arith.mulf %div3A_585, %div3A_585 : vector<8x1x192xf32>
    %sub3A = arith.subf %div3A_592, %mul3A_593 : vector<8x1x192xf32>
    %sub3A_594 = vector.broadcast %div3A_585 : vector<8x1x192xf32> to vector<8x64x192xf32>
    %sub3A_595 = arith.subf %reshape3A, %sub3A_594 : vector<8x64x192xf32>
    %add3A_596 = arith.constant 9.99999974E-6 : f32
    %add3A_597 = vector.broadcast %add3A_596 : f32 to vector<8x1x192xf32>
    %add3A_598 = arith.addf %sub3A, %add3A_597 : vector<8x1x192xf32>
    %rsqrt3A = math.rsqrt %add3A_598 : vector<8x1x192xf32>
    %mul3A_599 = vector.broadcast %rsqrt3A : vector<8x1x192xf32> to vector<8x64x192xf32>
    %mul3A_600 = arith.mulf %sub3A_595, %mul3A_599 : vector<8x64x192xf32>
    %get3A_601 = arith.constant 0 : index
    %get3A_602 = arith.constant 0 : index
    %get3A_603 = arith.constant 0 : index
    %get3A_604 = vector.load %arg6[%get3A_601, %get3A_602, %get3A_603] : memref<1x64x192xf32, #tpu.memory_space<vmem>>, vector<1x64x192xf32>
    %get3A_605 = vector.shape_cast %get3A_604 : vector<1x64x192xf32> to vector<64x192xf32>
    %broadcast_in_dim3A_606 = vector.shape_cast %get3A_605 : vector<64x192xf32> to vector<1x64x192xf32>
    %mul3A_607 = vector.broadcast %broadcast_in_dim3A_606 : vector<1x64x192xf32> to vector<8x64x192xf32>
    %mul3A_608 = arith.mulf %mul3A_600, %mul3A_607 : vector<8x64x192xf32>
    %get3A_609 = arith.constant 0 : index
    %get3A_610 = arith.constant 0 : index
    %get3A_611 = arith.constant 0 : index
    %get3A_612 = vector.load %arg7[%get3A_609, %get3A_610, %get3A_611] : memref<1x64x192xf32, #tpu.memory_space<vmem>>, vector<1x64x192xf32>
    %get3A_613 = vector.shape_cast %get3A_612 : vector<1x64x192xf32> to vector<64x192xf32>
    %broadcast_in_dim3A_614 = vector.shape_cast %get3A_613 : vector<64x192xf32> to vector<1x64x192xf32>
    %add3A_615 = vector.broadcast %broadcast_in_dim3A_614 : vector<1x64x192xf32> to vector<8x64x192xf32>
    %add3A_616 = arith.addf %mul3A_608, %add3A_615 : vector<8x64x192xf32>
    %reshape3A_617 = vector.shape_cast %add3A_616 : vector<8x64x192xf32> to vector<512x192xf32>
    %get3A_618 = arith.constant 0 : index
    %get3A_619 = arith.constant 0 : index
    %get3A_620 = arith.constant 0 : index
    %get3A_621 = vector.load %arg8[%get3A_618, %get3A_619, %get3A_620] : memref<1x192x384xf32, #tpu.memory_space<vmem>>, vector<1x192x384xf32>
    %get3A_622 = vector.shape_cast %get3A_621 : vector<1x192x384xf32> to vector<192x384xf32>
    %dot_general3A = arith.constant dense<0.000000e+00> : vector<512x384xf32>
    %dot_general3A_623 = tpu.matmul %reshape3A_617, %get3A_622, %dot_general3A {dimension_numbers = #tpu.dot_dimension_numbers<[1], [0], [0], [1], [0, 0, 1, 1], [], []>, transpose_lhs_hint = false} : vector<512x192xf32>, vector<192x384xf32>, vector<512x384xf32> -> vector<512x384xf32>
    %get3A_624 = arith.constant 0 : index
    %get3A_625 = arith.constant 0 : index
    %get3A_626 = arith.constant 0 : index
    %get3A_627 = vector.load %arg9[%get3A_624, %get3A_625, %get3A_626] : memref<1x1x384xf32, #tpu.memory_space<vmem>>, vector<1x1x384xf32>
    %get3A_628 = vector.shape_cast %get3A_627 : vector<1x1x384xf32> to vector<1x384xf32>
    %add3A_629 = vector.broadcast %get3A_628 : vector<1x384xf32> to vector<512x384xf32>
    %add3A_630 = arith.addf %dot_general3A_623, %add3A_629 : vector<512x384xf32>
    %slice3A = vector.extract_strided_slice %add3A_630 {offsets = [0, 0], sizes = [512, 192], strides = [1, 1]} : vector<512x384xf32> to vector<512x192xf32>
    %slice3A_631 = vector.extract_strided_slice %add3A_630 {offsets = [0, 192], sizes = [512, 192], strides = [1, 1]} : vector<512x384xf32> to vector<512x192xf32>
    %logistic3A = arith.negf %slice3A : vector<512x192xf32>
    %logistic3A_632 = math.exp %logistic3A : vector<512x192xf32>
    %logistic3A_633 = arith.constant 1.000000e+00 : f32
    %logistic3A_634 = vector.broadcast %logistic3A_633 : f32 to vector<512x192xf32>
    %logistic3A_635 = arith.addf %logistic3A_634, %logistic3A_632 : vector<512x192xf32>
    %logistic3A_636 = arith.divf %logistic3A_634, %logistic3A_635 : vector<512x192xf32>
    %mul3A_637 = arith.mulf %slice3A, %logistic3A_636 : vector<512x192xf32>
    %mul3A_638 = arith.mulf %mul3A_637, %slice3A_631 : vector<512x192xf32>
    %get3A_639 = arith.constant 0 : index
    %get3A_640 = arith.constant 0 : index
    %get3A_641 = arith.constant 0 : index
    %get3A_642 = vector.load %arg10[%get3A_639, %get3A_640, %get3A_641] : memref<1x192x192xf32, #tpu.memory_space<vmem>>, vector<1x192x192xf32>
    %get3A_643 = vector.shape_cast %get3A_642 : vector<1x192x192xf32> to vector<192x192xf32>
    %mul3A_644 = vector.broadcast %get3A_1 : f32 to vector<192x192xf32>
    %mul3A_645 = arith.mulf %get3A_643, %mul3A_644 : vector<192x192xf32>
    %dot_general3A_646 = arith.constant dense<0.000000e+00> : vector<512x192xf32>
    %dot_general3A_647 = tpu.matmul %mul3A_638, %mul3A_645, %dot_general3A_646 {dimension_numbers = #tpu.dot_dimension_numbers<[1], [0], [0], [1], [0, 0, 1, 1], [], []>, transpose_lhs_hint = false} : vector<512x192xf32>, vector<192x192xf32>, vector<512x192xf32> -> vector<512x192xf32>
    %broadcast_in_dim3A_648 = arith.constant 0.000000e+00 : bf16
    %broadcast_in_dim3A_649 = vector.broadcast %broadcast_in_dim3A_648 : bf16 to vector<512x192xbf16>
    %broadcast_in_dim3A_650 = arith.constant 0.000000e+00 : bf16
    %broadcast_in_dim3A_651 = vector.broadcast %broadcast_in_dim3A_650 : bf16 to vector<512x192xbf16>
    %get3A_652 = arith.constant 0 : index
    %get3A_653 = arith.constant 0 : index
    %get3A_654 = arith.constant 0 : index
    %get3A_655 = vector.load %arg12[%get3A_652, %get3A_653, %get3A_654] : memref<1x49x192xbf16, #tpu.memory_space<vmem>>, vector<1x1x192xbf16>
    %get3A_656 = vector.shape_cast %get3A_655 : vector<1x1x192xbf16> to vector<192xbf16>
    %broadcast_in_dim3A_657 = vector.shape_cast %get3A_656 : vector<192xbf16> to vector<1x192xbf16>
    %mul3A_658 = vector.broadcast %broadcast_in_dim3A_657 : vector<1x192xbf16> to vector<512x192xbf16>
    %mul3A_659 = arith.mulf %mul3A, %mul3A_658 : vector<512x192xbf16>
    %add3A_660 = arith.addf %broadcast_in_dim3A_651, %mul3A_659 : vector<512x192xbf16>
    %get3A_661 = arith.constant 0 : index
    %get3A_662 = arith.constant 1 : index
    %get3A_663 = arith.constant 0 : index
    %get3A_664 = vector.load %arg12[%get3A_661, %get3A_662, %get3A_663] : memref<1x49x192xbf16, #tpu.memory_space<vmem>>, vector<1x1x192xbf16>
    %get3A_665 = vector.shape_cast %get3A_664 : vector<1x1x192xbf16> to vector<192xbf16>
    %broadcast_in_dim3A_666 = vector.shape_cast %get3A_665 : vector<192xbf16> to vector<1x192xbf16>
    %mul3A_667 = vector.broadcast %broadcast_in_dim3A_666 : vector<1x192xbf16> to vector<512x192xbf16>
    %mul3A_668 = arith.mulf %mul3A_23, %mul3A_667 : vector<512x192xbf16>
    %add3A_669 = arith.addf %add3A_660, %mul3A_668 : vector<512x192xbf16>
    %get3A_670 = arith.constant 0 : index
    %get3A_671 = arith.constant 2 : index
    %get3A_672 = arith.constant 0 : index
    %get3A_673 = vector.load %arg12[%get3A_670, %get3A_671, %get3A_672] : memref<1x49x192xbf16, #tpu.memory_space<vmem>>, vector<1x1x192xbf16>
    %get3A_674 = vector.shape_cast %get3A_673 : vector<1x1x192xbf16> to vector<192xbf16>
    %broadcast_in_dim3A_675 = vector.shape_cast %get3A_674 : vector<192xbf16> to vector<1x192xbf16>
    %mul3A_676 = vector.broadcast %broadcast_in_dim3A_675 : vector<1x192xbf16> to vector<512x192xbf16>
    %mul3A_677 = arith.mulf %mul3A_31, %mul3A_676 : vector<512x192xbf16>
    %add3A_678 = arith.addf %add3A_669, %mul3A_677 : vector<512x192xbf16>
    %get3A_679 = arith.constant 0 : index
    %get3A_680 = arith.constant 3 : index
    %get3A_681 = arith.constant 0 : index
    %get3A_682 = vector.load %arg12[%get3A_679, %get3A_680, %get3A_681] : memref<1x49x192xbf16, #tpu.memory_space<vmem>>, vector<1x1x192xbf16>
    %get3A_683 = vector.shape_cast %get3A_682 : vector<1x1x192xbf16> to vector<192xbf16>
    %broadcast_in_dim3A_684 = vector.shape_cast %get3A_683 : vector<192xbf16> to vector<1x192xbf16>
    %mul3A_685 = vector.broadcast %broadcast_in_dim3A_684 : vector<1x192xbf16> to vector<512x192xbf16>
    %mul3A_686 = arith.mulf %mul3A_39, %mul3A_685 : vector<512x192xbf16>
    %add3A_687 = arith.addf %add3A_678, %mul3A_686 : vector<512x192xbf16>
    %get3A_688 = arith.constant 0 : index
    %get3A_689 = arith.constant 4 : index
    %get3A_690 = arith.constant 0 : index
    %get3A_691 = vector.load %arg12[%get3A_688, %get3A_689, %get3A_690] : memref<1x49x192xbf16, #tpu.memory_space<vmem>>, vector<1x1x192xbf16>
    %get3A_692 = vector.shape_cast %get3A_691 : vector<1x1x192xbf16> to vector<192xbf16>
    %broadcast_in_dim3A_693 = vector.shape_cast %get3A_692 : vector<192xbf16> to vector<1x192xbf16>
    %mul3A_694 = vector.broadcast %broadcast_in_dim3A_693 : vector<1x192xbf16> to vector<512x192xbf16>
    %mul3A_695 = arith.mulf %mul3A_47, %mul3A_694 : vector<512x192xbf16>
    %add3A_696 = arith.addf %add3A_687, %mul3A_695 : vector<512x192xbf16>
    %get3A_697 = arith.constant 0 : index
    %get3A_698 = arith.constant 5 : index
    %get3A_699 = arith.constant 0 : index
    %get3A_700 = vector.load %arg12[%get3A_697, %get3A_698, %get3A_699] : memref<1x49x192xbf16, #tpu.memory_space<vmem>>, vector<1x1x192xbf16>
    %get3A_701 = vector.shape_cast %get3A_700 : vector<1x1x192xbf16> to vector<192xbf16>
    %broadcast_in_dim3A_702 = vector.shape_cast %get3A_701 : vector<192xbf16> to vector<1x192xbf16>
    %mul3A_703 = vector.broadcast %broadcast_in_dim3A_702 : vector<1x192xbf16> to vector<512x192xbf16>
    %mul3A_704 = arith.mulf %mul3A_55, %mul3A_703 : vector<512x192xbf16>
    %add3A_705 = arith.addf %add3A_696, %mul3A_704 : vector<512x192xbf16>
    %get3A_706 = arith.constant 0 : index
    %get3A_707 = arith.constant 6 : index
    %get3A_708 = arith.constant 0 : index
    %get3A_709 = vector.load %arg12[%get3A_706, %get3A_707, %get3A_708] : memref<1x49x192xbf16, #tpu.memory_space<vmem>>, vector<1x1x192xbf16>
    %get3A_710 = vector.shape_cast %get3A_709 : vector<1x1x192xbf16> to vector<192xbf16>
    %broadcast_in_dim3A_711 = vector.shape_cast %get3A_710 : vector<192xbf16> to vector<1x192xbf16>
    %mul3A_712 = vector.broadcast %broadcast_in_dim3A_711 : vector<1x192xbf16> to vector<512x192xbf16>
    %mul3A_713 = arith.mulf %mul3A_63, %mul3A_712 : vector<512x192xbf16>
    %add3A_714 = arith.addf %add3A_705, %mul3A_713 : vector<512x192xbf16>
    %roll3A_715 = arith.constant 24 : i32
    %roll3A_716 = tpu.dynamic_rotate %add3A_714 by %roll3A_715 dim 0 : vector<512x192xbf16>, i32 -> vector<512x192xbf16>
    %get3A_717 = arith.constant 0 : index
    %get3A_718 = arith.constant 0 : index
    %get3A_719 = arith.constant 0 : index
    %get3A_720 = vector.load %arg4[%get3A_717, %get3A_718, %get3A_719] : memref<7x512x192xbf16, #tpu.memory_space<vmem>>, vector<1x512x192xbf16>
    %get3A_721 = vector.shape_cast %get3A_720 : vector<1x512x192xbf16> to vector<512x192xbf16>
    %mul3A_722 = arith.mulf %roll3A_716, %get3A_721 : vector<512x192xbf16>
    %add3A_723 = arith.addf %broadcast_in_dim3A_649, %mul3A_722 : vector<512x192xbf16>
    %broadcast_in_dim3A_724 = arith.constant 0.000000e+00 : bf16
    %broadcast_in_dim3A_725 = vector.broadcast %broadcast_in_dim3A_724 : bf16 to vector<512x192xbf16>
    %get3A_726 = arith.constant 0 : index
    %get3A_727 = arith.constant 7 : index
    %get3A_728 = arith.constant 0 : index
    %get3A_729 = vector.load %arg12[%get3A_726, %get3A_727, %get3A_728] : memref<1x49x192xbf16, #tpu.memory_space<vmem>>, vector<1x1x192xbf16>
    %get3A_730 = vector.shape_cast %get3A_729 : vector<1x1x192xbf16> to vector<192xbf16>
    %broadcast_in_dim3A_731 = vector.shape_cast %get3A_730 : vector<192xbf16> to vector<1x192xbf16>
    %mul3A_732 = vector.broadcast %broadcast_in_dim3A_731 : vector<1x192xbf16> to vector<512x192xbf16>
    %mul3A_733 = arith.mulf %mul3A, %mul3A_732 : vector<512x192xbf16>
    %add3A_734 = arith.addf %broadcast_in_dim3A_725, %mul3A_733 : vector<512x192xbf16>
    %get3A_735 = arith.constant 0 : index
    %get3A_736 = arith.constant 8 : index
    %get3A_737 = arith.constant 0 : index
    %get3A_738 = vector.load %arg12[%get3A_735, %get3A_736, %get3A_737] : memref<1x49x192xbf16, #tpu.memory_space<vmem>>, vector<1x1x192xbf16>
    %get3A_739 = vector.shape_cast %get3A_738 : vector<1x1x192xbf16> to vector<192xbf16>
    %broadcast_in_dim3A_740 = vector.shape_cast %get3A_739 : vector<192xbf16> to vector<1x192xbf16>
    %mul3A_741 = vector.broadcast %broadcast_in_dim3A_740 : vector<1x192xbf16> to vector<512x192xbf16>
    %mul3A_742 = arith.mulf %mul3A_23, %mul3A_741 : vector<512x192xbf16>
    %add3A_743 = arith.addf %add3A_734, %mul3A_742 : vector<512x192xbf16>
    %get3A_744 = arith.constant 0 : index
    %get3A_745 = arith.constant 9 : index
    %get3A_746 = arith.constant 0 : index
    %get3A_747 = vector.load %arg12[%get3A_744, %get3A_745, %get3A_746] : memref<1x49x192xbf16, #tpu.memory_space<vmem>>, vector<1x1x192xbf16>
    %get3A_748 = vector.shape_cast %get3A_747 : vector<1x1x192xbf16> to vector<192xbf16>
    %broadcast_in_dim3A_749 = vector.shape_cast %get3A_748 : vector<192xbf16> to vector<1x192xbf16>
    %mul3A_750 = vector.broadcast %broadcast_in_dim3A_749 : vector<1x192xbf16> to vector<512x192xbf16>
    %mul3A_751 = arith.mulf %mul3A_31, %mul3A_750 : vector<512x192xbf16>
    %add3A_752 = arith.addf %add3A_743, %mul3A_751 : vector<512x192xbf16>
    %get3A_753 = arith.constant 0 : index
    %get3A_754 = arith.constant 10 : index
    %get3A_755 = arith.constant 0 : index
    %get3A_756 = vector.load %arg12[%get3A_753, %get3A_754, %get3A_755] : memref<1x49x192xbf16, #tpu.memory_space<vmem>>, vector<1x1x192xbf16>
    %get3A_757 = vector.shape_cast %get3A_756 : vector<1x1x192xbf16> to vector<192xbf16>
    %broadcast_in_dim3A_758 = vector.shape_cast %get3A_757 : vector<192xbf16> to vector<1x192xbf16>
    %mul3A_759 = vector.broadcast %broadcast_in_dim3A_758 : vector<1x192xbf16> to vector<512x192xbf16>
    %mul3A_760 = arith.mulf %mul3A_39, %mul3A_759 : vector<512x192xbf16>
    %add3A_761 = arith.addf %add3A_752, %mul3A_760 : vector<512x192xbf16>
    %get3A_762 = arith.constant 0 : index
    %get3A_763 = arith.constant 11 : index
    %get3A_764 = arith.constant 0 : index
    %get3A_765 = vector.load %arg12[%get3A_762, %get3A_763, %get3A_764] : memref<1x49x192xbf16, #tpu.memory_space<vmem>>, vector<1x1x192xbf16>
    %get3A_766 = vector.shape_cast %get3A_765 : vector<1x1x192xbf16> to vector<192xbf16>
    %broadcast_in_dim3A_767 = vector.shape_cast %get3A_766 : vector<192xbf16> to vector<1x192xbf16>
    %mul3A_768 = vector.broadcast %broadcast_in_dim3A_767 : vector<1x192xbf16> to vector<512x192xbf16>
    %mul3A_769 = arith.mulf %mul3A_47, %mul3A_768 : vector<512x192xbf16>
    %add3A_770 = arith.addf %add3A_761, %mul3A_769 : vector<512x192xbf16>
    %get3A_771 = arith.constant 0 : index
    %get3A_772 = arith.constant 12 : index
    %get3A_773 = arith.constant 0 : index
    %get3A_774 = vector.load %arg12[%get3A_771, %get3A_772, %get3A_773] : memref<1x49x192xbf16, #tpu.memory_space<vmem>>, vector<1x1x192xbf16>
    %get3A_775 = vector.shape_cast %get3A_774 : vector<1x1x192xbf16> to vector<192xbf16>
    %broadcast_in_dim3A_776 = vector.shape_cast %get3A_775 : vector<192xbf16> to vector<1x192xbf16>
    %mul3A_777 = vector.broadcast %broadcast_in_dim3A_776 : vector<1x192xbf16> to vector<512x192xbf16>
    %mul3A_778 = arith.mulf %mul3A_55, %mul3A_777 : vector<512x192xbf16>
    %add3A_779 = arith.addf %add3A_770, %mul3A_778 : vector<512x192xbf16>
    %get3A_780 = arith.constant 0 : index
    %get3A_781 = arith.constant 13 : index
    %get3A_782 = arith.constant 0 : index
    %get3A_783 = vector.load %arg12[%get3A_780, %get3A_781, %get3A_782] : memref<1x49x192xbf16, #tpu.memory_space<vmem>>, vector<1x1x192xbf16>
    %get3A_784 = vector.shape_cast %get3A_783 : vector<1x1x192xbf16> to vector<192xbf16>
    %broadcast_in_dim3A_785 = vector.shape_cast %get3A_784 : vector<192xbf16> to vector<1x192xbf16>
    %mul3A_786 = vector.broadcast %broadcast_in_dim3A_785 : vector<1x192xbf16> to vector<512x192xbf16>
    %mul3A_787 = arith.mulf %mul3A_63, %mul3A_786 : vector<512x192xbf16>
    %add3A_788 = arith.addf %add3A_779, %mul3A_787 : vector<512x192xbf16>
    %roll3A_789 = arith.constant 16 : i32
    %roll3A_790 = tpu.dynamic_rotate %add3A_788 by %roll3A_789 dim 0 : vector<512x192xbf16>, i32 -> vector<512x192xbf16>
    %get3A_791 = arith.constant 1 : index
    %get3A_792 = arith.constant 0 : index
    %get3A_793 = arith.constant 0 : index
    %get3A_794 = vector.load %arg4[%get3A_791, %get3A_792, %get3A_793] : memref<7x512x192xbf16, #tpu.memory_space<vmem>>, vector<1x512x192xbf16>
    %get3A_795 = vector.shape_cast %get3A_794 : vector<1x512x192xbf16> to vector<512x192xbf16>
    %mul3A_796 = arith.mulf %roll3A_790, %get3A_795 : vector<512x192xbf16>
    %add3A_797 = arith.addf %add3A_723, %mul3A_796 : vector<512x192xbf16>
    %broadcast_in_dim3A_798 = arith.constant 0.000000e+00 : bf16
    %broadcast_in_dim3A_799 = vector.broadcast %broadcast_in_dim3A_798 : bf16 to vector<512x192xbf16>
    %get3A_800 = arith.constant 0 : index
    %get3A_801 = arith.constant 14 : index
    %get3A_802 = arith.constant 0 : index
    %get3A_803 = vector.load %arg12[%get3A_800, %get3A_801, %get3A_802] : memref<1x49x192xbf16, #tpu.memory_space<vmem>>, vector<1x1x192xbf16>
    %get3A_804 = vector.shape_cast %get3A_803 : vector<1x1x192xbf16> to vector<192xbf16>
    %broadcast_in_dim3A_805 = vector.shape_cast %get3A_804 : vector<192xbf16> to vector<1x192xbf16>
    %mul3A_806 = vector.broadcast %broadcast_in_dim3A_805 : vector<1x192xbf16> to vector<512x192xbf16>
    %mul3A_807 = arith.mulf %mul3A, %mul3A_806 : vector<512x192xbf16>
    %add3A_808 = arith.addf %broadcast_in_dim3A_799, %mul3A_807 : vector<512x192xbf16>
    %get3A_809 = arith.constant 0 : index
    %get3A_810 = arith.constant 15 : index
    %get3A_811 = arith.constant 0 : index
    %get3A_812 = vector.load %arg12[%get3A_809, %get3A_810, %get3A_811] : memref<1x49x192xbf16, #tpu.memory_space<vmem>>, vector<1x1x192xbf16>
    %get3A_813 = vector.shape_cast %get3A_812 : vector<1x1x192xbf16> to vector<192xbf16>
    %broadcast_in_dim3A_814 = vector.shape_cast %get3A_813 : vector<192xbf16> to vector<1x192xbf16>
    %mul3A_815 = vector.broadcast %broadcast_in_dim3A_814 : vector<1x192xbf16> to vector<512x192xbf16>
    %mul3A_816 = arith.mulf %mul3A_23, %mul3A_815 : vector<512x192xbf16>
    %add3A_817 = arith.addf %add3A_808, %mul3A_816 : vector<512x192xbf16>
    %get3A_818 = arith.constant 0 : index
    %get3A_819 = arith.constant 16 : index
    %get3A_820 = arith.constant 0 : index
    %get3A_821 = vector.load %arg12[%get3A_818, %get3A_819, %get3A_820] : memref<1x49x192xbf16, #tpu.memory_space<vmem>>, vector<1x1x192xbf16>
    %get3A_822 = vector.shape_cast %get3A_821 : vector<1x1x192xbf16> to vector<192xbf16>
    %broadcast_in_dim3A_823 = vector.shape_cast %get3A_822 : vector<192xbf16> to vector<1x192xbf16>
    %mul3A_824 = vector.broadcast %broadcast_in_dim3A_823 : vector<1x192xbf16> to vector<512x192xbf16>
    %mul3A_825 = arith.mulf %mul3A_31, %mul3A_824 : vector<512x192xbf16>
    %add3A_826 = arith.addf %add3A_817, %mul3A_825 : vector<512x192xbf16>
    %get3A_827 = arith.constant 0 : index
    %get3A_828 = arith.constant 17 : index
    %get3A_829 = arith.constant 0 : index
    %get3A_830 = vector.load %arg12[%get3A_827, %get3A_828, %get3A_829] : memref<1x49x192xbf16, #tpu.memory_space<vmem>>, vector<1x1x192xbf16>
    %get3A_831 = vector.shape_cast %get3A_830 : vector<1x1x192xbf16> to vector<192xbf16>
    %broadcast_in_dim3A_832 = vector.shape_cast %get3A_831 : vector<192xbf16> to vector<1x192xbf16>
    %mul3A_833 = vector.broadcast %broadcast_in_dim3A_832 : vector<1x192xbf16> to vector<512x192xbf16>
    %mul3A_834 = arith.mulf %mul3A_39, %mul3A_833 : vector<512x192xbf16>
    %add3A_835 = arith.addf %add3A_826, %mul3A_834 : vector<512x192xbf16>
    %get3A_836 = arith.constant 0 : index
    %get3A_837 = arith.constant 18 : index
    %get3A_838 = arith.constant 0 : index
    %get3A_839 = vector.load %arg12[%get3A_836, %get3A_837, %get3A_838] : memref<1x49x192xbf16, #tpu.memory_space<vmem>>, vector<1x1x192xbf16>
    %get3A_840 = vector.shape_cast %get3A_839 : vector<1x1x192xbf16> to vector<192xbf16>
    %broadcast_in_dim3A_841 = vector.shape_cast %get3A_840 : vector<192xbf16> to vector<1x192xbf16>
    %mul3A_842 = vector.broadcast %broadcast_in_dim3A_841 : vector<1x192xbf16> to vector<512x192xbf16>
    %mul3A_843 = arith.mulf %mul3A_47, %mul3A_842 : vector<512x192xbf16>
    %add3A_844 = arith.addf %add3A_835, %mul3A_843 : vector<512x192xbf16>
    %get3A_845 = arith.constant 0 : index
    %get3A_846 = arith.constant 19 : index
    %get3A_847 = arith.constant 0 : index
    %get3A_848 = vector.load %arg12[%get3A_845, %get3A_846, %get3A_847] : memref<1x49x192xbf16, #tpu.memory_space<vmem>>, vector<1x1x192xbf16>
    %get3A_849 = vector.shape_cast %get3A_848 : vector<1x1x192xbf16> to vector<192xbf16>
    %broadcast_in_dim3A_850 = vector.shape_cast %get3A_849 : vector<192xbf16> to vector<1x192xbf16>
    %mul3A_851 = vector.broadcast %broadcast_in_dim3A_850 : vector<1x192xbf16> to vector<512x192xbf16>
    %mul3A_852 = arith.mulf %mul3A_55, %mul3A_851 : vector<512x192xbf16>
    %add3A_853 = arith.addf %add3A_844, %mul3A_852 : vector<512x192xbf16>
    %get3A_854 = arith.constant 0 : index
    %get3A_855 = arith.constant 20 : index
    %get3A_856 = arith.constant 0 : index
    %get3A_857 = vector.load %arg12[%get3A_854, %get3A_855, %get3A_856] : memref<1x49x192xbf16, #tpu.memory_space<vmem>>, vector<1x1x192xbf16>
    %get3A_858 = vector.shape_cast %get3A_857 : vector<1x1x192xbf16> to vector<192xbf16>
    %broadcast_in_dim3A_859 = vector.shape_cast %get3A_858 : vector<192xbf16> to vector<1x192xbf16>
    %mul3A_860 = vector.broadcast %broadcast_in_dim3A_859 : vector<1x192xbf16> to vector<512x192xbf16>
    %mul3A_861 = arith.mulf %mul3A_63, %mul3A_860 : vector<512x192xbf16>
    %add3A_862 = arith.addf %add3A_853, %mul3A_861 : vector<512x192xbf16>
    %roll3A_863 = arith.constant 8 : i32
    %roll3A_864 = tpu.dynamic_rotate %add3A_862 by %roll3A_863 dim 0 : vector<512x192xbf16>, i32 -> vector<512x192xbf16>
    %get3A_865 = arith.constant 2 : index
    %get3A_866 = arith.constant 0 : index
    %get3A_867 = arith.constant 0 : index
    %get3A_868 = vector.load %arg4[%get3A_865, %get3A_866, %get3A_867] : memref<7x512x192xbf16, #tpu.memory_space<vmem>>, vector<1x512x192xbf16>
    %get3A_869 = vector.shape_cast %get3A_868 : vector<1x512x192xbf16> to vector<512x192xbf16>
    %mul3A_870 = arith.mulf %roll3A_864, %get3A_869 : vector<512x192xbf16>
    %add3A_871 = arith.addf %add3A_797, %mul3A_870 : vector<512x192xbf16>
    %broadcast_in_dim3A_872 = arith.constant 0.000000e+00 : bf16
    %broadcast_in_dim3A_873 = vector.broadcast %broadcast_in_dim3A_872 : bf16 to vector<512x192xbf16>
    %get3A_874 = arith.constant 0 : index
    %get3A_875 = arith.constant 21 : index
    %get3A_876 = arith.constant 0 : index
    %get3A_877 = vector.load %arg12[%get3A_874, %get3A_875, %get3A_876] : memref<1x49x192xbf16, #tpu.memory_space<vmem>>, vector<1x1x192xbf16>
    %get3A_878 = vector.shape_cast %get3A_877 : vector<1x1x192xbf16> to vector<192xbf16>
    %broadcast_in_dim3A_879 = vector.shape_cast %get3A_878 : vector<192xbf16> to vector<1x192xbf16>
    %mul3A_880 = vector.broadcast %broadcast_in_dim3A_879 : vector<1x192xbf16> to vector<512x192xbf16>
    %mul3A_881 = arith.mulf %mul3A, %mul3A_880 : vector<512x192xbf16>
    %add3A_882 = arith.addf %broadcast_in_dim3A_873, %mul3A_881 : vector<512x192xbf16>
    %get3A_883 = arith.constant 0 : index
    %get3A_884 = arith.constant 22 : index
    %get3A_885 = arith.constant 0 : index
    %get3A_886 = vector.load %arg12[%get3A_883, %get3A_884, %get3A_885] : memref<1x49x192xbf16, #tpu.memory_space<vmem>>, vector<1x1x192xbf16>
    %get3A_887 = vector.shape_cast %get3A_886 : vector<1x1x192xbf16> to vector<192xbf16>
    %broadcast_in_dim3A_888 = vector.shape_cast %get3A_887 : vector<192xbf16> to vector<1x192xbf16>
    %mul3A_889 = vector.broadcast %broadcast_in_dim3A_888 : vector<1x192xbf16> to vector<512x192xbf16>
    %mul3A_890 = arith.mulf %mul3A_23, %mul3A_889 : vector<512x192xbf16>
    %add3A_891 = arith.addf %add3A_882, %mul3A_890 : vector<512x192xbf16>
    %get3A_892 = arith.constant 0 : index
    %get3A_893 = arith.constant 23 : index
    %get3A_894 = arith.constant 0 : index
    %get3A_895 = vector.load %arg12[%get3A_892, %get3A_893, %get3A_894] : memref<1x49x192xbf16, #tpu.memory_space<vmem>>, vector<1x1x192xbf16>
    %get3A_896 = vector.shape_cast %get3A_895 : vector<1x1x192xbf16> to vector<192xbf16>
    %broadcast_in_dim3A_897 = vector.shape_cast %get3A_896 : vector<192xbf16> to vector<1x192xbf16>
    %mul3A_898 = vector.broadcast %broadcast_in_dim3A_897 : vector<1x192xbf16> to vector<512x192xbf16>
    %mul3A_899 = arith.mulf %mul3A_31, %mul3A_898 : vector<512x192xbf16>
    %add3A_900 = arith.addf %add3A_891, %mul3A_899 : vector<512x192xbf16>
    %get3A_901 = arith.constant 0 : index
    %get3A_902 = arith.constant 24 : index
    %get3A_903 = arith.constant 0 : index
    %get3A_904 = vector.load %arg12[%get3A_901, %get3A_902, %get3A_903] : memref<1x49x192xbf16, #tpu.memory_space<vmem>>, vector<1x1x192xbf16>
    %get3A_905 = vector.shape_cast %get3A_904 : vector<1x1x192xbf16> to vector<192xbf16>
    %broadcast_in_dim3A_906 = vector.shape_cast %get3A_905 : vector<192xbf16> to vector<1x192xbf16>
    %mul3A_907 = vector.broadcast %broadcast_in_dim3A_906 : vector<1x192xbf16> to vector<512x192xbf16>
    %mul3A_908 = arith.mulf %mul3A_39, %mul3A_907 : vector<512x192xbf16>
    %add3A_909 = arith.addf %add3A_900, %mul3A_908 : vector<512x192xbf16>
    %get3A_910 = arith.constant 0 : index
    %get3A_911 = arith.constant 25 : index
    %get3A_912 = arith.constant 0 : index
    %get3A_913 = vector.load %arg12[%get3A_910, %get3A_911, %get3A_912] : memref<1x49x192xbf16, #tpu.memory_space<vmem>>, vector<1x1x192xbf16>
    %get3A_914 = vector.shape_cast %get3A_913 : vector<1x1x192xbf16> to vector<192xbf16>
    %broadcast_in_dim3A_915 = vector.shape_cast %get3A_914 : vector<192xbf16> to vector<1x192xbf16>
    %mul3A_916 = vector.broadcast %broadcast_in_dim3A_915 : vector<1x192xbf16> to vector<512x192xbf16>
    %mul3A_917 = arith.mulf %mul3A_47, %mul3A_916 : vector<512x192xbf16>
    %add3A_918 = arith.addf %add3A_909, %mul3A_917 : vector<512x192xbf16>
    %get3A_919 = arith.constant 0 : index
    %get3A_920 = arith.constant 26 : index
    %get3A_921 = arith.constant 0 : index
    %get3A_922 = vector.load %arg12[%get3A_919, %get3A_920, %get3A_921] : memref<1x49x192xbf16, #tpu.memory_space<vmem>>, vector<1x1x192xbf16>
    %get3A_923 = vector.shape_cast %get3A_922 : vector<1x1x192xbf16> to vector<192xbf16>
    %broadcast_in_dim3A_924 = vector.shape_cast %get3A_923 : vector<192xbf16> to vector<1x192xbf16>
    %mul3A_925 = vector.broadcast %broadcast_in_dim3A_924 : vector<1x192xbf16> to vector<512x192xbf16>
    %mul3A_926 = arith.mulf %mul3A_55, %mul3A_925 : vector<512x192xbf16>
    %add3A_927 = arith.addf %add3A_918, %mul3A_926 : vector<512x192xbf16>
    %get3A_928 = arith.constant 0 : index
    %get3A_929 = arith.constant 27 : index
    %get3A_930 = arith.constant 0 : index
    %get3A_931 = vector.load %arg12[%get3A_928, %get3A_929, %get3A_930] : memref<1x49x192xbf16, #tpu.memory_space<vmem>>, vector<1x1x192xbf16>
    %get3A_932 = vector.shape_cast %get3A_931 : vector<1x1x192xbf16> to vector<192xbf16>
    %broadcast_in_dim3A_933 = vector.shape_cast %get3A_932 : vector<192xbf16> to vector<1x192xbf16>
    %mul3A_934 = vector.broadcast %broadcast_in_dim3A_933 : vector<1x192xbf16> to vector<512x192xbf16>
    %mul3A_935 = arith.mulf %mul3A_63, %mul3A_934 : vector<512x192xbf16>
    %add3A_936 = arith.addf %add3A_927, %mul3A_935 : vector<512x192xbf16>
    %roll3A_937 = arith.constant 0 : i32
    %roll3A_938 = tpu.dynamic_rotate %add3A_936 by %roll3A_937 dim 0 : vector<512x192xbf16>, i32 -> vector<512x192xbf16>
    %get3A_939 = arith.constant 3 : index
    %get3A_940 = arith.constant 0 : index
    %get3A_941 = arith.constant 0 : index
    %get3A_942 = vector.load %arg4[%get3A_939, %get3A_940, %get3A_941] : memref<7x512x192xbf16, #tpu.memory_space<vmem>>, vector<1x512x192xbf16>
    %get3A_943 = vector.shape_cast %get3A_942 : vector<1x512x192xbf16> to vector<512x192xbf16>
    %mul3A_944 = arith.mulf %roll3A_938, %get3A_943 : vector<512x192xbf16>
    %add3A_945 = arith.addf %add3A_871, %mul3A_944 : vector<512x192xbf16>
    %broadcast_in_dim3A_946 = arith.constant 0.000000e+00 : bf16
    %broadcast_in_dim3A_947 = vector.broadcast %broadcast_in_dim3A_946 : bf16 to vector<512x192xbf16>
    %get3A_948 = arith.constant 0 : index
    %get3A_949 = arith.constant 28 : index
    %get3A_950 = arith.constant 0 : index
    %get3A_951 = vector.load %arg12[%get3A_948, %get3A_949, %get3A_950] : memref<1x49x192xbf16, #tpu.memory_space<vmem>>, vector<1x1x192xbf16>
    %get3A_952 = vector.shape_cast %get3A_951 : vector<1x1x192xbf16> to vector<192xbf16>
    %broadcast_in_dim3A_953 = vector.shape_cast %get3A_952 : vector<192xbf16> to vector<1x192xbf16>
    %mul3A_954 = vector.broadcast %broadcast_in_dim3A_953 : vector<1x192xbf16> to vector<512x192xbf16>
    %mul3A_955 = arith.mulf %mul3A, %mul3A_954 : vector<512x192xbf16>
    %add3A_956 = arith.addf %broadcast_in_dim3A_947, %mul3A_955 : vector<512x192xbf16>
    %get3A_957 = arith.constant 0 : index
    %get3A_958 = arith.constant 29 : index
    %get3A_959 = arith.constant 0 : index
    %get3A_960 = vector.load %arg12[%get3A_957, %get3A_958, %get3A_959] : memref<1x49x192xbf16, #tpu.memory_space<vmem>>, vector<1x1x192xbf16>
    %get3A_961 = vector.shape_cast %get3A_960 : vector<1x1x192xbf16> to vector<192xbf16>
    %broadcast_in_dim3A_962 = vector.shape_cast %get3A_961 : vector<192xbf16> to vector<1x192xbf16>
    %mul3A_963 = vector.broadcast %broadcast_in_dim3A_962 : vector<1x192xbf16> to vector<512x192xbf16>
    %mul3A_964 = arith.mulf %mul3A_23, %mul3A_963 : vector<512x192xbf16>
    %add3A_965 = arith.addf %add3A_956, %mul3A_964 : vector<512x192xbf16>
    %get3A_966 = arith.constant 0 : index
    %get3A_967 = arith.constant 30 : index
    %get3A_968 = arith.constant 0 : index
    %get3A_969 = vector.load %arg12[%get3A_966, %get3A_967, %get3A_968] : memref<1x49x192xbf16, #tpu.memory_space<vmem>>, vector<1x1x192xbf16>
    %get3A_970 = vector.shape_cast %get3A_969 : vector<1x1x192xbf16> to vector<192xbf16>
    %broadcast_in_dim3A_971 = vector.shape_cast %get3A_970 : vector<192xbf16> to vector<1x192xbf16>
    %mul3A_972 = vector.broadcast %broadcast_in_dim3A_971 : vector<1x192xbf16> to vector<512x192xbf16>
    %mul3A_973 = arith.mulf %mul3A_31, %mul3A_972 : vector<512x192xbf16>
    %add3A_974 = arith.addf %add3A_965, %mul3A_973 : vector<512x192xbf16>
    %get3A_975 = arith.constant 0 : index
    %get3A_976 = arith.constant 31 : index
    %get3A_977 = arith.constant 0 : index
    %get3A_978 = vector.load %arg12[%get3A_975, %get3A_976, %get3A_977] : memref<1x49x192xbf16, #tpu.memory_space<vmem>>, vector<1x1x192xbf16>
    %get3A_979 = vector.shape_cast %get3A_978 : vector<1x1x192xbf16> to vector<192xbf16>
    %broadcast_in_dim3A_980 = vector.shape_cast %get3A_979 : vector<192xbf16> to vector<1x192xbf16>
    %mul3A_981 = vector.broadcast %broadcast_in_dim3A_980 : vector<1x192xbf16> to vector<512x192xbf16>
    %mul3A_982 = arith.mulf %mul3A_39, %mul3A_981 : vector<512x192xbf16>
    %add3A_983 = arith.addf %add3A_974, %mul3A_982 : vector<512x192xbf16>
    %get3A_984 = arith.constant 0 : index
    %get3A_985 = arith.constant 32 : index
    %get3A_986 = arith.constant 0 : index
    %get3A_987 = vector.load %arg12[%get3A_984, %get3A_985, %get3A_986] : memref<1x49x192xbf16, #tpu.memory_space<vmem>>, vector<1x1x192xbf16>
    %get3A_988 = vector.shape_cast %get3A_987 : vector<1x1x192xbf16> to vector<192xbf16>
    %broadcast_in_dim3A_989 = vector.shape_cast %get3A_988 : vector<192xbf16> to vector<1x192xbf16>
    %mul3A_990 = vector.broadcast %broadcast_in_dim3A_989 : vector<1x192xbf16> to vector<512x192xbf16>
    %mul3A_991 = arith.mulf %mul3A_47, %mul3A_990 : vector<512x192xbf16>
    %add3A_992 = arith.addf %add3A_983, %mul3A_991 : vector<512x192xbf16>
    %get3A_993 = arith.constant 0 : index
    %get3A_994 = arith.constant 33 : index
    %get3A_995 = arith.constant 0 : index
    %get3A_996 = vector.load %arg12[%get3A_993, %get3A_994, %get3A_995] : memref<1x49x192xbf16, #tpu.memory_space<vmem>>, vector<1x1x192xbf16>
    %get3A_997 = vector.shape_cast %get3A_996 : vector<1x1x192xbf16> to vector<192xbf16>
    %broadcast_in_dim3A_998 = vector.shape_cast %get3A_997 : vector<192xbf16> to vector<1x192xbf16>
    %mul3A_999 = vector.broadcast %broadcast_in_dim3A_998 : vector<1x192xbf16> to vector<512x192xbf16>
    %mul3A_1000 = arith.mulf %mul3A_55, %mul3A_999 : vector<512x192xbf16>
    %add3A_1001 = arith.addf %add3A_992, %mul3A_1000 : vector<512x192xbf16>
    %get3A_1002 = arith.constant 0 : index
    %get3A_1003 = arith.constant 34 : index
    %get3A_1004 = arith.constant 0 : index
    %get3A_1005 = vector.load %arg12[%get3A_1002, %get3A_1003, %get3A_1004] : memref<1x49x192xbf16, #tpu.memory_space<vmem>>, vector<1x1x192xbf16>
    %get3A_1006 = vector.shape_cast %get3A_1005 : vector<1x1x192xbf16> to vector<192xbf16>
    %broadcast_in_dim3A_1007 = vector.shape_cast %get3A_1006 : vector<192xbf16> to vector<1x192xbf16>
    %mul3A_1008 = vector.broadcast %broadcast_in_dim3A_1007 : vector<1x192xbf16> to vector<512x192xbf16>
    %mul3A_1009 = arith.mulf %mul3A_63, %mul3A_1008 : vector<512x192xbf16>
    %add3A_1010 = arith.addf %add3A_1001, %mul3A_1009 : vector<512x192xbf16>
    %roll3A_1011 = arith.constant 504 : i32
    %roll3A_1012 = tpu.dynamic_rotate %add3A_1010 by %roll3A_1011 dim 0 : vector<512x192xbf16>, i32 -> vector<512x192xbf16>
    %get3A_1013 = arith.constant 4 : index
    %get3A_1014 = arith.constant 0 : index
    %get3A_1015 = arith.constant 0 : index
    %get3A_1016 = vector.load %arg4[%get3A_1013, %get3A_1014, %get3A_1015] : memref<7x512x192xbf16, #tpu.memory_space<vmem>>, vector<1x512x192xbf16>
    %get3A_1017 = vector.shape_cast %get3A_1016 : vector<1x512x192xbf16> to vector<512x192xbf16>
    %mul3A_1018 = arith.mulf %roll3A_1012, %get3A_1017 : vector<512x192xbf16>
    %add3A_1019 = arith.addf %add3A_945, %mul3A_1018 : vector<512x192xbf16>
    %broadcast_in_dim3A_1020 = arith.constant 0.000000e+00 : bf16
    %broadcast_in_dim3A_1021 = vector.broadcast %broadcast_in_dim3A_1020 : bf16 to vector<512x192xbf16>
    %get3A_1022 = arith.constant 0 : index
    %get3A_1023 = arith.constant 35 : index
    %get3A_1024 = arith.constant 0 : index
    %get3A_1025 = vector.load %arg12[%get3A_1022, %get3A_1023, %get3A_1024] : memref<1x49x192xbf16, #tpu.memory_space<vmem>>, vector<1x1x192xbf16>
    %get3A_1026 = vector.shape_cast %get3A_1025 : vector<1x1x192xbf16> to vector<192xbf16>
    %broadcast_in_dim3A_1027 = vector.shape_cast %get3A_1026 : vector<192xbf16> to vector<1x192xbf16>
    %mul3A_1028 = vector.broadcast %broadcast_in_dim3A_1027 : vector<1x192xbf16> to vector<512x192xbf16>
    %mul3A_1029 = arith.mulf %mul3A, %mul3A_1028 : vector<512x192xbf16>
    %add3A_1030 = arith.addf %broadcast_in_dim3A_1021, %mul3A_1029 : vector<512x192xbf16>
    %get3A_1031 = arith.constant 0 : index
    %get3A_1032 = arith.constant 36 : index
    %get3A_1033 = arith.constant 0 : index
    %get3A_1034 = vector.load %arg12[%get3A_1031, %get3A_1032, %get3A_1033] : memref<1x49x192xbf16, #tpu.memory_space<vmem>>, vector<1x1x192xbf16>
    %get3A_1035 = vector.shape_cast %get3A_1034 : vector<1x1x192xbf16> to vector<192xbf16>
    %broadcast_in_dim3A_1036 = vector.shape_cast %get3A_1035 : vector<192xbf16> to vector<1x192xbf16>
    %mul3A_1037 = vector.broadcast %broadcast_in_dim3A_1036 : vector<1x192xbf16> to vector<512x192xbf16>
    %mul3A_1038 = arith.mulf %mul3A_23, %mul3A_1037 : vector<512x192xbf16>
    %add3A_1039 = arith.addf %add3A_1030, %mul3A_1038 : vector<512x192xbf16>
    %get3A_1040 = arith.constant 0 : index
    %get3A_1041 = arith.constant 37 : index
    %get3A_1042 = arith.constant 0 : index
    %get3A_1043 = vector.load %arg12[%get3A_1040, %get3A_1041, %get3A_1042] : memref<1x49x192xbf16, #tpu.memory_space<vmem>>, vector<1x1x192xbf16>
    %get3A_1044 = vector.shape_cast %get3A_1043 : vector<1x1x192xbf16> to vector<192xbf16>
    %broadcast_in_dim3A_1045 = vector.shape_cast %get3A_1044 : vector<192xbf16> to vector<1x192xbf16>
    %mul3A_1046 = vector.broadcast %broadcast_in_dim3A_1045 : vector<1x192xbf16> to vector<512x192xbf16>
    %mul3A_1047 = arith.mulf %mul3A_31, %mul3A_1046 : vector<512x192xbf16>
    %add3A_1048 = arith.addf %add3A_1039, %mul3A_1047 : vector<512x192xbf16>
    %get3A_1049 = arith.constant 0 : index
    %get3A_1050 = arith.constant 38 : index
    %get3A_1051 = arith.constant 0 : index
    %get3A_1052 = vector.load %arg12[%get3A_1049, %get3A_1050, %get3A_1051] : memref<1x49x192xbf16, #tpu.memory_space<vmem>>, vector<1x1x192xbf16>
    %get3A_1053 = vector.shape_cast %get3A_1052 : vector<1x1x192xbf16> to vector<192xbf16>
    %broadcast_in_dim3A_1054 = vector.shape_cast %get3A_1053 : vector<192xbf16> to vector<1x192xbf16>
    %mul3A_1055 = vector.broadcast %broadcast_in_dim3A_1054 : vector<1x192xbf16> to vector<512x192xbf16>
    %mul3A_1056 = arith.mulf %mul3A_39, %mul3A_1055 : vector<512x192xbf16>
    %add3A_1057 = arith.addf %add3A_1048, %mul3A_1056 : vector<512x192xbf16>
    %get3A_1058 = arith.constant 0 : index
    %get3A_1059 = arith.constant 39 : index
    %get3A_1060 = arith.constant 0 : index
    %get3A_1061 = vector.load %arg12[%get3A_1058, %get3A_1059, %get3A_1060] : memref<1x49x192xbf16, #tpu.memory_space<vmem>>, vector<1x1x192xbf16>
    %get3A_1062 = vector.shape_cast %get3A_1061 : vector<1x1x192xbf16> to vector<192xbf16>
    %broadcast_in_dim3A_1063 = vector.shape_cast %get3A_1062 : vector<192xbf16> to vector<1x192xbf16>
    %mul3A_1064 = vector.broadcast %broadcast_in_dim3A_1063 : vector<1x192xbf16> to vector<512x192xbf16>
    %mul3A_1065 = arith.mulf %mul3A_47, %mul3A_1064 : vector<512x192xbf16>
    %add3A_1066 = arith.addf %add3A_1057, %mul3A_1065 : vector<512x192xbf16>
    %get3A_1067 = arith.constant 0 : index
    %get3A_1068 = arith.constant 40 : index
    %get3A_1069 = arith.constant 0 : index
    %get3A_1070 = vector.load %arg12[%get3A_1067, %get3A_1068, %get3A_1069] : memref<1x49x192xbf16, #tpu.memory_space<vmem>>, vector<1x1x192xbf16>
    %get3A_1071 = vector.shape_cast %get3A_1070 : vector<1x1x192xbf16> to vector<192xbf16>
    %broadcast_in_dim3A_1072 = vector.shape_cast %get3A_1071 : vector<192xbf16> to vector<1x192xbf16>
    %mul3A_1073 = vector.broadcast %broadcast_in_dim3A_1072 : vector<1x192xbf16> to vector<512x192xbf16>
    %mul3A_1074 = arith.mulf %mul3A_55, %mul3A_1073 : vector<512x192xbf16>
    %add3A_1075 = arith.addf %add3A_1066, %mul3A_1074 : vector<512x192xbf16>
    %get3A_1076 = arith.constant 0 : index
    %get3A_1077 = arith.constant 41 : index
    %get3A_1078 = arith.constant 0 : index
    %get3A_1079 = vector.load %arg12[%get3A_1076, %get3A_1077, %get3A_1078] : memref<1x49x192xbf16, #tpu.memory_space<vmem>>, vector<1x1x192xbf16>
    %get3A_1080 = vector.shape_cast %get3A_1079 : vector<1x1x192xbf16> to vector<192xbf16>
    %broadcast_in_dim3A_1081 = vector.shape_cast %get3A_1080 : vector<192xbf16> to vector<1x192xbf16>
    %mul3A_1082 = vector.broadcast %broadcast_in_dim3A_1081 : vector<1x192xbf16> to vector<512x192xbf16>
    %mul3A_1083 = arith.mulf %mul3A_63, %mul3A_1082 : vector<512x192xbf16>
    %add3A_1084 = arith.addf %add3A_1075, %mul3A_1083 : vector<512x192xbf16>
    %roll3A_1085 = arith.constant 496 : i32
    %roll3A_1086 = tpu.dynamic_rotate %add3A_1084 by %roll3A_1085 dim 0 : vector<512x192xbf16>, i32 -> vector<512x192xbf16>
    %get3A_1087 = arith.constant 5 : index
    %get3A_1088 = arith.constant 0 : index
    %get3A_1089 = arith.constant 0 : index
    %get3A_1090 = vector.load %arg4[%get3A_1087, %get3A_1088, %get3A_1089] : memref<7x512x192xbf16, #tpu.memory_space<vmem>>, vector<1x512x192xbf16>
    %get3A_1091 = vector.shape_cast %get3A_1090 : vector<1x512x192xbf16> to vector<512x192xbf16>
    %mul3A_1092 = arith.mulf %roll3A_1086, %get3A_1091 : vector<512x192xbf16>
    %add3A_1093 = arith.addf %add3A_1019, %mul3A_1092 : vector<512x192xbf16>
    %broadcast_in_dim3A_1094 = arith.constant 0.000000e+00 : bf16
    %broadcast_in_dim3A_1095 = vector.broadcast %broadcast_in_dim3A_1094 : bf16 to vector<512x192xbf16>
    %get3A_1096 = arith.constant 0 : index
    %get3A_1097 = arith.constant 42 : index
    %get3A_1098 = arith.constant 0 : index
    %get3A_1099 = vector.load %arg12[%get3A_1096, %get3A_1097, %get3A_1098] : memref<1x49x192xbf16, #tpu.memory_space<vmem>>, vector<1x1x192xbf16>
    %get3A_1100 = vector.shape_cast %get3A_1099 : vector<1x1x192xbf16> to vector<192xbf16>
    %broadcast_in_dim3A_1101 = vector.shape_cast %get3A_1100 : vector<192xbf16> to vector<1x192xbf16>
    %mul3A_1102 = vector.broadcast %broadcast_in_dim3A_1101 : vector<1x192xbf16> to vector<512x192xbf16>
    %mul3A_1103 = arith.mulf %mul3A, %mul3A_1102 : vector<512x192xbf16>
    %add3A_1104 = arith.addf %broadcast_in_dim3A_1095, %mul3A_1103 : vector<512x192xbf16>
    %get3A_1105 = arith.constant 0 : index
    %get3A_1106 = arith.constant 43 : index
    %get3A_1107 = arith.constant 0 : index
    %get3A_1108 = vector.load %arg12[%get3A_1105, %get3A_1106, %get3A_1107] : memref<1x49x192xbf16, #tpu.memory_space<vmem>>, vector<1x1x192xbf16>
    %get3A_1109 = vector.shape_cast %get3A_1108 : vector<1x1x192xbf16> to vector<192xbf16>
    %broadcast_in_dim3A_1110 = vector.shape_cast %get3A_1109 : vector<192xbf16> to vector<1x192xbf16>
    %mul3A_1111 = vector.broadcast %broadcast_in_dim3A_1110 : vector<1x192xbf16> to vector<512x192xbf16>
    %mul3A_1112 = arith.mulf %mul3A_23, %mul3A_1111 : vector<512x192xbf16>
    %add3A_1113 = arith.addf %add3A_1104, %mul3A_1112 : vector<512x192xbf16>
    %get3A_1114 = arith.constant 0 : index
    %get3A_1115 = arith.constant 44 : index
    %get3A_1116 = arith.constant 0 : index
    %get3A_1117 = vector.load %arg12[%get3A_1114, %get3A_1115, %get3A_1116] : memref<1x49x192xbf16, #tpu.memory_space<vmem>>, vector<1x1x192xbf16>
    %get3A_1118 = vector.shape_cast %get3A_1117 : vector<1x1x192xbf16> to vector<192xbf16>
    %broadcast_in_dim3A_1119 = vector.shape_cast %get3A_1118 : vector<192xbf16> to vector<1x192xbf16>
    %mul3A_1120 = vector.broadcast %broadcast_in_dim3A_1119 : vector<1x192xbf16> to vector<512x192xbf16>
    %mul3A_1121 = arith.mulf %mul3A_31, %mul3A_1120 : vector<512x192xbf16>
    %add3A_1122 = arith.addf %add3A_1113, %mul3A_1121 : vector<512x192xbf16>
    %get3A_1123 = arith.constant 0 : index
    %get3A_1124 = arith.constant 45 : index
    %get3A_1125 = arith.constant 0 : index
    %get3A_1126 = vector.load %arg12[%get3A_1123, %get3A_1124, %get3A_1125] : memref<1x49x192xbf16, #tpu.memory_space<vmem>>, vector<1x1x192xbf16>
    %get3A_1127 = vector.shape_cast %get3A_1126 : vector<1x1x192xbf16> to vector<192xbf16>
    %broadcast_in_dim3A_1128 = vector.shape_cast %get3A_1127 : vector<192xbf16> to vector<1x192xbf16>
    %mul3A_1129 = vector.broadcast %broadcast_in_dim3A_1128 : vector<1x192xbf16> to vector<512x192xbf16>
    %mul3A_1130 = arith.mulf %mul3A_39, %mul3A_1129 : vector<512x192xbf16>
    %add3A_1131 = arith.addf %add3A_1122, %mul3A_1130 : vector<512x192xbf16>
    %get3A_1132 = arith.constant 0 : index
    %get3A_1133 = arith.constant 46 : index
    %get3A_1134 = arith.constant 0 : index
    %get3A_1135 = vector.load %arg12[%get3A_1132, %get3A_1133, %get3A_1134] : memref<1x49x192xbf16, #tpu.memory_space<vmem>>, vector<1x1x192xbf16>
    %get3A_1136 = vector.shape_cast %get3A_1135 : vector<1x1x192xbf16> to vector<192xbf16>
    %broadcast_in_dim3A_1137 = vector.shape_cast %get3A_1136 : vector<192xbf16> to vector<1x192xbf16>
    %mul3A_1138 = vector.broadcast %broadcast_in_dim3A_1137 : vector<1x192xbf16> to vector<512x192xbf16>
    %mul3A_1139 = arith.mulf %mul3A_47, %mul3A_1138 : vector<512x192xbf16>
    %add3A_1140 = arith.addf %add3A_1131, %mul3A_1139 : vector<512x192xbf16>
    %get3A_1141 = arith.constant 0 : index
    %get3A_1142 = arith.constant 47 : index
    %get3A_1143 = arith.constant 0 : index
    %get3A_1144 = vector.load %arg12[%get3A_1141, %get3A_1142, %get3A_1143] : memref<1x49x192xbf16, #tpu.memory_space<vmem>>, vector<1x1x192xbf16>
    %get3A_1145 = vector.shape_cast %get3A_1144 : vector<1x1x192xbf16> to vector<192xbf16>
    %broadcast_in_dim3A_1146 = vector.shape_cast %get3A_1145 : vector<192xbf16> to vector<1x192xbf16>
    %mul3A_1147 = vector.broadcast %broadcast_in_dim3A_1146 : vector<1x192xbf16> to vector<512x192xbf16>
    %mul3A_1148 = arith.mulf %mul3A_55, %mul3A_1147 : vector<512x192xbf16>
    %add3A_1149 = arith.addf %add3A_1140, %mul3A_1148 : vector<512x192xbf16>
    %get3A_1150 = arith.constant 0 : index
    %get3A_1151 = arith.constant 48 : index
    %get3A_1152 = arith.constant 0 : index
    %get3A_1153 = vector.load %arg12[%get3A_1150, %get3A_1151, %get3A_1152] : memref<1x49x192xbf16, #tpu.memory_space<vmem>>, vector<1x1x192xbf16>
    %get3A_1154 = vector.shape_cast %get3A_1153 : vector<1x1x192xbf16> to vector<192xbf16>
    %broadcast_in_dim3A_1155 = vector.shape_cast %get3A_1154 : vector<192xbf16> to vector<1x192xbf16>
    %mul3A_1156 = vector.broadcast %broadcast_in_dim3A_1155 : vector<1x192xbf16> to vector<512x192xbf16>
    %mul3A_1157 = arith.mulf %mul3A_63, %mul3A_1156 : vector<512x192xbf16>
    %add3A_1158 = arith.addf %add3A_1149, %mul3A_1157 : vector<512x192xbf16>
    %roll3A_1159 = arith.constant 488 : i32
    %roll3A_1160 = tpu.dynamic_rotate %add3A_1158 by %roll3A_1159 dim 0 : vector<512x192xbf16>, i32 -> vector<512x192xbf16>
    %get3A_1161 = arith.constant 6 : index
    %get3A_1162 = arith.constant 0 : index
    %get3A_1163 = arith.constant 0 : index
    %get3A_1164 = vector.load %arg4[%get3A_1161, %get3A_1162, %get3A_1163] : memref<7x512x192xbf16, #tpu.memory_space<vmem>>, vector<1x512x192xbf16>
    %get3A_1165 = vector.shape_cast %get3A_1164 : vector<1x512x192xbf16> to vector<512x192xbf16>
    %mul3A_1166 = arith.mulf %roll3A_1160, %get3A_1165 : vector<512x192xbf16>
    %add3A_1167 = arith.addf %add3A_1093, %mul3A_1166 : vector<512x192xbf16>
    %convert_element_type3A_1168 = arith.extf %add3A_1167 : vector<512x192xbf16> to vector<512x192xf32>
    %reshape3A_1169 = vector.shape_cast %convert_element_type3A_1168 : vector<512x192xf32> to vector<8x64x192xf32>
    %reduce_sum3A_1170 = arith.constant dense<0.000000e+00> : vector<8x192xf32>
    %reduce_sum3A_1171 = vector.multi_reduction <add>, %reshape3A_1169, %reduce_sum3A_1170 [1] : vector<8x64x192xf32> to vector<8x192xf32>
    %broadcast_in_dim3A_1172 = vector.shape_cast %reduce_sum3A_1171 : vector<8x192xf32> to vector<8x1x192xf32>
    %div3A_1173 = arith.constant 6.400000e+01 : f32
    %div3A_1174 = vector.broadcast %div3A_1173 : f32 to vector<8x1x192xf32>
    %div3A_1175 = arith.divf %broadcast_in_dim3A_1172, %div3A_1174 : vector<8x1x192xf32>
    %mul3A_1176 = arith.mulf %reshape3A_1169, %reshape3A_1169 : vector<8x64x192xf32>
    %reduce_sum3A_1177 = arith.constant dense<0.000000e+00> : vector<8x192xf32>
    %reduce_sum3A_1178 = vector.multi_reduction <add>, %mul3A_1176, %reduce_sum3A_1177 [1] : vector<8x64x192xf32> to vector<8x192xf32>
    %broadcast_in_dim3A_1179 = vector.shape_cast %reduce_sum3A_1178 : vector<8x192xf32> to vector<8x1x192xf32>
    %div3A_1180 = arith.constant 6.400000e+01 : f32
    %div3A_1181 = vector.broadcast %div3A_1180 : f32 to vector<8x1x192xf32>
    %div3A_1182 = arith.divf %broadcast_in_dim3A_1179, %div3A_1181 : vector<8x1x192xf32>
    %mul3A_1183 = arith.mulf %div3A_1175, %div3A_1175 : vector<8x1x192xf32>
    %sub3A_1184 = arith.subf %div3A_1182, %mul3A_1183 : vector<8x1x192xf32>
    %sub3A_1185 = vector.broadcast %div3A_1175 : vector<8x1x192xf32> to vector<8x64x192xf32>
    %sub3A_1186 = arith.subf %reshape3A_1169, %sub3A_1185 : vector<8x64x192xf32>
    %add3A_1187 = arith.constant 9.99999974E-6 : f32
    %add3A_1188 = vector.broadcast %add3A_1187 : f32 to vector<8x1x192xf32>
    %add3A_1189 = arith.addf %sub3A_1184, %add3A_1188 : vector<8x1x192xf32>
    %rsqrt3A_1190 = math.rsqrt %add3A_1189 : vector<8x1x192xf32>
    %mul3A_1191 = vector.broadcast %rsqrt3A_1190 : vector<8x1x192xf32> to vector<8x64x192xf32>
    %mul3A_1192 = arith.mulf %sub3A_1186, %mul3A_1191 : vector<8x64x192xf32>
    %get3A_1193 = arith.constant 0 : index
    %get3A_1194 = arith.constant 0 : index
    %get3A_1195 = arith.constant 0 : index
    %get3A_1196 = vector.load %arg13[%get3A_1193, %get3A_1194, %get3A_1195] : memref<1x64x192xf32, #tpu.memory_space<vmem>>, vector<1x64x192xf32>
    %get3A_1197 = vector.shape_cast %get3A_1196 : vector<1x64x192xf32> to vector<64x192xf32>
    %broadcast_in_dim3A_1198 = vector.shape_cast %get3A_1197 : vector<64x192xf32> to vector<1x64x192xf32>
    %mul3A_1199 = vector.broadcast %broadcast_in_dim3A_1198 : vector<1x64x192xf32> to vector<8x64x192xf32>
    %mul3A_1200 = arith.mulf %mul3A_1192, %mul3A_1199 : vector<8x64x192xf32>
    %get3A_1201 = arith.constant 0 : index
    %get3A_1202 = arith.constant 0 : index
    %get3A_1203 = arith.constant 0 : index
    %get3A_1204 = vector.load %arg14[%get3A_1201, %get3A_1202, %get3A_1203] : memref<1x64x192xf32, #tpu.memory_space<vmem>>, vector<1x64x192xf32>
    %get3A_1205 = vector.shape_cast %get3A_1204 : vector<1x64x192xf32> to vector<64x192xf32>
    %broadcast_in_dim3A_1206 = vector.shape_cast %get3A_1205 : vector<64x192xf32> to vector<1x64x192xf32>
    %add3A_1207 = vector.broadcast %broadcast_in_dim3A_1206 : vector<1x64x192xf32> to vector<8x64x192xf32>
    %add3A_1208 = arith.addf %mul3A_1200, %add3A_1207 : vector<8x64x192xf32>
    %reshape3A_1209 = vector.shape_cast %add3A_1208 : vector<8x64x192xf32> to vector<512x192xf32>
    %get3A_1210 = arith.constant 0 : index
    %get3A_1211 = arith.constant 0 : index
    %get3A_1212 = arith.constant 0 : index
    %get3A_1213 = vector.load %arg15[%get3A_1210, %get3A_1211, %get3A_1212] : memref<1x192x384xf32, #tpu.memory_space<vmem>>, vector<1x192x384xf32>
    %get3A_1214 = vector.shape_cast %get3A_1213 : vector<1x192x384xf32> to vector<192x384xf32>
    %dot_general3A_1215 = arith.constant dense<0.000000e+00> : vector<512x384xf32>
    %dot_general3A_1216 = tpu.matmul %reshape3A_1209, %get3A_1214, %dot_general3A_1215 {dimension_numbers = #tpu.dot_dimension_numbers<[1], [0], [0], [1], [0, 0, 1, 1], [], []>, transpose_lhs_hint = false} : vector<512x192xf32>, vector<192x384xf32>, vector<512x384xf32> -> vector<512x384xf32>
    %get3A_1217 = arith.constant 0 : index
    %get3A_1218 = arith.constant 0 : index
    %get3A_1219 = arith.constant 0 : index
    %get3A_1220 = vector.load %arg16[%get3A_1217, %get3A_1218, %get3A_1219] : memref<1x1x384xf32, #tpu.memory_space<vmem>>, vector<1x1x384xf32>
    %get3A_1221 = vector.shape_cast %get3A_1220 : vector<1x1x384xf32> to vector<1x384xf32>
    %add3A_1222 = vector.broadcast %get3A_1221 : vector<1x384xf32> to vector<512x384xf32>
    %add3A_1223 = arith.addf %dot_general3A_1216, %add3A_1222 : vector<512x384xf32>
    %slice3A_1224 = vector.extract_strided_slice %add3A_1223 {offsets = [0, 0], sizes = [512, 192], strides = [1, 1]} : vector<512x384xf32> to vector<512x192xf32>
    %slice3A_1225 = vector.extract_strided_slice %add3A_1223 {offsets = [0, 192], sizes = [512, 192], strides = [1, 1]} : vector<512x384xf32> to vector<512x192xf32>
    %logistic3A_1226 = arith.negf %slice3A_1224 : vector<512x192xf32>
    %logistic3A_1227 = math.exp %logistic3A_1226 : vector<512x192xf32>
    %logistic3A_1228 = arith.constant 1.000000e+00 : f32
    %logistic3A_1229 = vector.broadcast %logistic3A_1228 : f32 to vector<512x192xf32>
    %logistic3A_1230 = arith.addf %logistic3A_1229, %logistic3A_1227 : vector<512x192xf32>
    %logistic3A_1231 = arith.divf %logistic3A_1229, %logistic3A_1230 : vector<512x192xf32>
    %mul3A_1232 = arith.mulf %slice3A_1224, %logistic3A_1231 : vector<512x192xf32>
    %mul3A_1233 = arith.mulf %mul3A_1232, %slice3A_1225 : vector<512x192xf32>
    %get3A_1234 = arith.constant 0 : index
    %get3A_1235 = arith.constant 0 : index
    %get3A_1236 = arith.constant 0 : index
    %get3A_1237 = vector.load %arg17[%get3A_1234, %get3A_1235, %get3A_1236] : memref<1x192x192xf32, #tpu.memory_space<vmem>>, vector<1x192x192xf32>
    %get3A_1238 = vector.shape_cast %get3A_1237 : vector<1x192x192xf32> to vector<192x192xf32>
    %mul3A_1239 = vector.broadcast %get3A_4 : f32 to vector<192x192xf32>
    %mul3A_1240 = arith.mulf %get3A_1238, %mul3A_1239 : vector<192x192xf32>
    %dot_general3A_1241 = arith.constant dense<0.000000e+00> : vector<512x192xf32>
    %dot_general3A_1242 = tpu.matmul %mul3A_1233, %mul3A_1240, %dot_general3A_1241 {dimension_numbers = #tpu.dot_dimension_numbers<[1], [0], [0], [1], [0, 0, 1, 1], [], []>, transpose_lhs_hint = false} : vector<512x192xf32>, vector<192x192xf32>, vector<512x192xf32> -> vector<512x192xf32>
    %get3A_1243 = arith.constant 0 : index
    %get3A_1244 = arith.constant 0 : index
    %get3A_1245 = arith.constant 0 : index
    %get3A_1246 = vector.load %arg11[%get3A_1243, %get3A_1244, %get3A_1245] : memref<1x1x192xf32, #tpu.memory_space<vmem>>, vector<1x1x192xf32>
    %get3A_1247 = vector.shape_cast %get3A_1246 : vector<1x1x192xf32> to vector<1x192xf32>
    %mul3A_1248 = vector.broadcast %get3A_1 : f32 to vector<1x192xf32>
    %mul3A_1249 = arith.mulf %mul3A_1248, %get3A_1247 : vector<1x192xf32>
    %get3A_1250 = arith.constant 0 : index
    %get3A_1251 = arith.constant 0 : index
    %get3A_1252 = arith.constant 0 : index
    %get3A_1253 = vector.load %arg18[%get3A_1250, %get3A_1251, %get3A_1252] : memref<1x1x192xf32, #tpu.memory_space<vmem>>, vector<1x1x192xf32>
    %get3A_1254 = vector.shape_cast %get3A_1253 : vector<1x1x192xf32> to vector<1x192xf32>
    %mul3A_1255 = vector.broadcast %get3A_4 : f32 to vector<1x192xf32>
    %mul3A_1256 = arith.mulf %mul3A_1255, %get3A_1254 : vector<1x192xf32>
    %add3A_1257 = arith.addf %mul3A_1249, %mul3A_1256 : vector<1x192xf32>
    %convert_element_type3A_1258 = arith.extf %get3A_9 : vector<512x192xbf16> to vector<512x192xf32>
    %add3A_1259 = arith.addf %convert_element_type3A_1258, %dot_general3A_647 : vector<512x192xf32>
    %add3A_1260 = arith.addf %add3A_1259, %dot_general3A_1242 : vector<512x192xf32>
    %add3A_1261 = vector.broadcast %add3A_1257 : vector<1x192xf32> to vector<512x192xf32>
    %add3A_1262 = arith.addf %add3A_1260, %add3A_1261 : vector<512x192xf32>
    %swap3A = arith.constant 0 : index
    %swap3A_1263 = arith.constant 0 : index
    %swap3A_1264 = arith.constant 0 : index
    %swap3A_1265 = vector.load %arg20[%swap3A, %swap3A_1263, %swap3A_1264] : memref<1x512x192xf32, #tpu.memory_space<vmem>>, vector<1x512x192xf32>
    %swap3A_1266 = vector.shape_cast %swap3A_1265 : vector<1x512x192xf32> to vector<512x192xf32>
    %swap3A_1267 = vector.shape_cast %add3A_1262 : vector<512x192xf32> to vector<1x512x192xf32>
    tpu.vector_store %arg20[%swap3A, %swap3A_1263, %swap3A_1264], %swap3A_1267 {strides = array<i32>} : memref<1x512x192xf32, #tpu.memory_space<vmem>>, vector<1x512x192xf32>,
    return
  }
  func.func @transform_0(%arg0: i32, %arg1: memref<128x2xi32, #tpu.memory_space<smem>>) -> (i32, i32, i32) {
    %c0_i32 = arith.constant 0 : i32
    %c0_i32_0 = arith.constant 0 : i32
    %c0_i32_1 = arith.constant 0 : i32
    return %arg0, %c0_i32, %c0_i32_0 : i32, i32, i32
  }
  func.func @transform_1(%arg0: i32, %arg1: memref<128x2xi32, #tpu.memory_space<smem>>) -> (i32, i32, i32) {
    %c0_i32 = arith.constant 0 : i32
    %c0_i32_0 = arith.constant 0 : i32
    %c0_i32_1 = arith.constant 0 : i32
    %c0_i32_2 = arith.constant 0 : i32
    return %c0_i32, %c0_i32_0, %c0_i32_1 : i32, i32, i32
  }
  func.func @transform_2(%arg0: i32, %arg1: memref<128x2xi32, #tpu.memory_space<smem>>) -> (i32, i32, i32) {
    %c0_i32 = arith.constant 0 : i32
    %c0_i32_0 = arith.constant 0 : i32
    %c0_i32_1 = arith.constant 0 : i32
    %c0_i32_2 = arith.constant 0 : i32
    return %c0_i32, %c0_i32_0, %c0_i32_1 : i32, i32, i32
  }
  func.func @transform_3(%arg0: i32, %arg1: memref<128x2xi32, #tpu.memory_space<smem>>) -> (i32, i32, i32) {
    %get3A = arith.index_cast %arg0 : i32 to index
    %get3A_0 = arith.constant 0 : index
    %get3A_1 = memref.load %arg1[%get3A, %get3A_0] : memref<128x2xi32, #tpu.memory_space<smem>>
    %c0_i32 = arith.constant 0 : i32
    %c0_i32_2 = arith.constant 0 : i32
    %c0_i32_3 = arith.constant 0 : i32
    return %get3A_1, %c0_i32, %c0_i32_2 : i32, i32, i32
  }
  func.func @transform_4(%arg0: i32, %arg1: memref<128x2xi32, #tpu.memory_space<smem>>) -> (i32, i32, i32) {
    %get3A = arith.index_cast %arg0 : i32 to index
    %get3A_0 = arith.constant 0 : index
    %get3A_1 = memref.load %arg1[%get3A, %get3A_0] : memref<128x2xi32, #tpu.memory_space<smem>>
    %c0_i32 = arith.constant 0 : i32
    %c0_i32_2 = arith.constant 0 : i32
    %c0_i32_3 = arith.constant 0 : i32
    return %get3A_1, %c0_i32, %c0_i32_2 : i32, i32, i32
  }
  func.func @transform_5(%arg0: i32, %arg1: memref<128x2xi32, #tpu.memory_space<smem>>) -> (i32, i32, i32) {
    %get3A = arith.index_cast %arg0 : i32 to index
    %get3A_0 = arith.constant 0 : index
    %get3A_1 = memref.load %arg1[%get3A, %get3A_0] : memref<128x2xi32, #tpu.memory_space<smem>>
    %c0_i32 = arith.constant 0 : i32
    %c0_i32_2 = arith.constant 0 : i32
    %c0_i32_3 = arith.constant 0 : i32
    return %get3A_1, %c0_i32, %c0_i32_2 : i32, i32, i32
  }
  func.func @transform_6(%arg0: i32, %arg1: memref<128x2xi32, #tpu.memory_space<smem>>) -> (i32, i32, i32) {
    %get3A = arith.index_cast %arg0 : i32 to index
    %get3A_0 = arith.constant 0 : index
    %get3A_1 = memref.load %arg1[%get3A, %get3A_0] : memref<128x2xi32, #tpu.memory_space<smem>>
    %c0_i32 = arith.constant 0 : i32
    %c0_i32_2 = arith.constant 0 : i32
    %c0_i32_3 = arith.constant 0 : i32
    return %get3A_1, %c0_i32, %c0_i32_2 : i32, i32, i32
  }
  func.func @transform_7(%arg0: i32, %arg1: memref<128x2xi32, #tpu.memory_space<smem>>) -> (i32, i32, i32) {
    %get3A = arith.index_cast %arg0 : i32 to index
    %get3A_0 = arith.constant 0 : index
    %get3A_1 = memref.load %arg1[%get3A, %get3A_0] : memref<128x2xi32, #tpu.memory_space<smem>>
    %c0_i32 = arith.constant 0 : i32
    %c0_i32_2 = arith.constant 0 : i32
    %c0_i32_3 = arith.constant 0 : i32
    return %get3A_1, %c0_i32, %c0_i32_2 : i32, i32, i32
  }
  func.func @transform_8(%arg0: i32, %arg1: memref<128x2xi32, #tpu.memory_space<smem>>) -> (i32, i32, i32) {
    %get3A = arith.index_cast %arg0 : i32 to index
    %get3A_0 = arith.constant 0 : index
    %get3A_1 = memref.load %arg1[%get3A, %get3A_0] : memref<128x2xi32, #tpu.memory_space<smem>>
    %c0_i32 = arith.constant 0 : i32
    %c0_i32_2 = arith.constant 0 : i32
    %c0_i32_3 = arith.constant 0 : i32
    return %get3A_1, %c0_i32, %c0_i32_2 : i32, i32, i32
  }
  func.func @transform_9(%arg0: i32, %arg1: memref<128x2xi32, #tpu.memory_space<smem>>) -> (i32, i32, i32) {
    %get3A = arith.index_cast %arg0 : i32 to index
    %get3A_0 = arith.constant 0 : index
    %get3A_1 = memref.load %arg1[%get3A, %get3A_0] : memref<128x2xi32, #tpu.memory_space<smem>>
    %c0_i32 = arith.constant 0 : i32
    %c0_i32_2 = arith.constant 0 : i32
    %c0_i32_3 = arith.constant 0 : i32
    return %get3A_1, %c0_i32, %c0_i32_2 : i32, i32, i32
  }
  func.func @transform_10(%arg0: i32, %arg1: memref<128x2xi32, #tpu.memory_space<smem>>) -> (i32, i32, i32) {
    %get3A = arith.index_cast %arg0 : i32 to index
    %get3A_0 = arith.constant 1 : index
    %get3A_1 = memref.load %arg1[%get3A, %get3A_0] : memref<128x2xi32, #tpu.memory_space<smem>>
    %c0_i32 = arith.constant 0 : i32
    %c0_i32_2 = arith.constant 0 : i32
    %c0_i32_3 = arith.constant 0 : i32
    return %get3A_1, %c0_i32, %c0_i32_2 : i32, i32, i32
  }
  func.func @transform_11(%arg0: i32, %arg1: memref<128x2xi32, #tpu.memory_space<smem>>) -> (i32, i32, i32) {
    %get3A = arith.index_cast %arg0 : i32 to index
    %get3A_0 = arith.constant 1 : index
    %get3A_1 = memref.load %arg1[%get3A, %get3A_0] : memref<128x2xi32, #tpu.memory_space<smem>>
    %c0_i32 = arith.constant 0 : i32
    %c0_i32_2 = arith.constant 0 : i32
    %c0_i32_3 = arith.constant 0 : i32
    return %get3A_1, %c0_i32, %c0_i32_2 : i32, i32, i32
  }
  func.func @transform_12(%arg0: i32, %arg1: memref<128x2xi32, #tpu.memory_space<smem>>) -> (i32, i32, i32) {
    %get3A = arith.index_cast %arg0 : i32 to index
    %get3A_0 = arith.constant 1 : index
    %get3A_1 = memref.load %arg1[%get3A, %get3A_0] : memref<128x2xi32, #tpu.memory_space<smem>>
    %c0_i32 = arith.constant 0 : i32
    %c0_i32_2 = arith.constant 0 : i32
    %c0_i32_3 = arith.constant 0 : i32
    return %get3A_1, %c0_i32, %c0_i32_2 : i32, i32, i32
  }
  func.func @transform_13(%arg0: i32, %arg1: memref<128x2xi32, #tpu.memory_space<smem>>) -> (i32, i32, i32) {
    %get3A = arith.index_cast %arg0 : i32 to index
    %get3A_0 = arith.constant 1 : index
    %get3A_1 = memref.load %arg1[%get3A, %get3A_0] : memref<128x2xi32, #tpu.memory_space<smem>>
    %c0_i32 = arith.constant 0 : i32
    %c0_i32_2 = arith.constant 0 : i32
    %c0_i32_3 = arith.constant 0 : i32
    return %get3A_1, %c0_i32, %c0_i32_2 : i32, i32, i32
  }
  func.func @transform_14(%arg0: i32, %arg1: memref<128x2xi32, #tpu.memory_space<smem>>) -> (i32, i32, i32) {
    %get3A = arith.index_cast %arg0 : i32 to index
    %get3A_0 = arith.constant 1 : index
    %get3A_1 = memref.load %arg1[%get3A, %get3A_0] : memref<128x2xi32, #tpu.memory_space<smem>>
    %c0_i32 = arith.constant 0 : i32
    %c0_i32_2 = arith.constant 0 : i32
    %c0_i32_3 = arith.constant 0 : i32
    return %get3A_1, %c0_i32, %c0_i32_2 : i32, i32, i32
  }
  func.func @transform_15(%arg0: i32, %arg1: memref<128x2xi32, #tpu.memory_space<smem>>) -> (i32, i32, i32) {
    %get3A = arith.index_cast %arg0 : i32 to index
    %get3A_0 = arith.constant 1 : index
    %get3A_1 = memref.load %arg1[%get3A, %get3A_0] : memref<128x2xi32, #tpu.memory_space<smem>>
    %c0_i32 = arith.constant 0 : i32
    %c0_i32_2 = arith.constant 0 : i32
    %c0_i32_3 = arith.constant 0 : i32
    return %get3A_1, %c0_i32, %c0_i32_2 : i32, i32, i32
  }
  func.func @transform_16(%arg0: i32, %arg1: memref<128x2xi32, #tpu.memory_space<smem>>) -> (i32, i32, i32) {
    %get3A = arith.index_cast %arg0 : i32 to index
    %get3A_0 = arith.constant 1 : index
    %get3A_1 = memref.load %arg1[%get3A, %get3A_0] : memref<128x2xi32, #tpu.memory_space<smem>>
    %c0_i32 = arith.constant 0 : i32
    %c0_i32_2 = arith.constant 0 : i32
    %c0_i32_3 = arith.constant 0 : i32
    return %get3A_1, %c0_i32, %c0_i32_2 : i32, i32, i32
  }
  func.func @transform_17(%arg0: i32, %arg1: memref<128x2xi32, #tpu.memory_space<smem>>) -> (i32, i32) {
    %c0_i32 = arith.constant 0 : i32
    %c0_i32_0 = arith.constant 0 : i32
    %c0_i32_1 = arith.constant 0 : i32
    return %c0_i32, %c0_i32_0 : i32, i32
  }
  func.func @transform_18(%arg0: i32, %arg1: memref<128x2xi32, #tpu.memory_space<smem>>) -> (i32, i32, i32) {
    %c0_i32 = arith.constant 0 : i32
    %c0_i32_0 = arith.constant 0 : i32
    %c0_i32_1 = arith.constant 0 : i32
    return %arg0, %c0_i32, %c0_i32_0 : i32, i32, i32
  }
}

</mosaic_0001>

<sc_bundles>
// kernel: sparse-core-data-format-call.cloned.1.call-start
scs
called_computation_lowered:
.L_overlay_start_0:
0x0: {  	s2 =	sld [smem:$0x3FD9]  }
0x1: {  	s3 =	sld [smem:$0x3FFE];
	_ =	sdelay $0x1  }
0x2: {  	s1 =	srdreg.scid  }
0x3: {  	s0 =	sand.u32 $0x1, s1  }
0x4: {  	s18 =	sshll.u32 s0, $0xA;
	s2 =	sadd.s32 s3, s2  }
0x5: {  	s2 =	sadd.s32 s2, s18  }
0x6: {  	[smem:$0x3FBE] =	sst s2  }
0x7: {  	_ = 	snop  }
0x8: {  	s2 =	sld [smem:$0x3FD0];
	(tm) =	ssettm $0x1  }
0x9: {  	s19 =	sld [smem:$0x3FFB];
	_ =	sdelay $0x3  }
0xa: {  	_ =	strace s19  }
0xb: {  	s3 =	sld [smem:$0x3FFC];
	_ =	sdelay $0x3  }
0xc: {  	_ =	strace s3  }
0xd: {  	s3 =	sld [smem:$0x3FFD];
	_ =	sdelay $0x3  }
0xe: {  	_ =	strace s3  }
0xf: {  	_ =	strace $0x8FFFFFFF  }
0x10: {  	s20 =	sld [smem:$0x3FDB];
	_ =	sdelay $0x1  }
0x11: {  	s4 =	simm.s32 $_scs_section_size  }
0x12: {  	s5 =	simm.s32 $_size__tile_overlayer_lowered;
	s6 =	simm.s32 $_tile_overlayer_lowered  }
0x13: {  	s23 =	simm.s32 $0x1BFF;
	s22 =	sshll.u32 s6, $0x1;
	s3 =	sadd.s32 s4, s20  }
0x14: {  	s7 =	simm.s32 $0x0;
	s21 =	sshll.u32 s5, $0x1;
	s5 =	sadd.s32 s22, s3  }
0x15: {  	[timem:s7], [sflag:s23] =	dma.local [hbm:s5], s21  }
0x16: {  	_ =	swait.ge [sflag:s23], s21  }
0x17: {  	s4 =	ssub.s32 $0x0, s21;
	[sflag:s23] =	ssyncset.done $0x0  }
0x18: {  	[sflag:s23] =	ssyncadd.s32 s4;
	_ =	sdelay $0x1  }
0x19: {  	s24 =	simm.s32 $0x1B8B  }
0x1a: {  	_ =	swait.ge [sflag:s24], $0x1  }
0x1b: {  	[sflag:s24] =	ssyncset.done $0x0  }
0x1c: {  	s26 =	simm.s32 $0x1B8E;
	s25 =	sld [smem:$0x3FFE];
	[sflag:s24] =	ssyncadd.s32 $0xFFFFFFFF  }
0x1d: {  	s27 =	simm.s32 $execute0_lowered;
	[smem:$0x3FD2] =	sst s26  }
0x1e: {  	s5 =	sshll.u32 s27, $0x1;
	_ =	strace $0x80000046;
	[dreg:$0x1] =	wrdreg $0xFFFFFFFF  }
0x1f: {  	s28 =	simm.s32 $_size_execute0_lowered;
	s3 =	sadd.s32 s3, s5;
	[dreg:$0x0] =	wrdreg $0x0  }
0x20: {  	s5 =	sshll.u32 s28, $0x1;
	[dreg:$0x2] =	wrdreg s3  }
0x21: {  	[dreg:$0x3] =	wrdreg s5  }
0x22: {  	[dreg:$0x4] =	wrdreg $0xC0  }
0x23: {  	_ =	task [dreg:s7], $0x5FFFF  }
0x24: {  	[dreg:$0x1] =	wrdreg $0xFFFFFFFF  }
0x25: {  	[dreg:$0x0] =	wrdreg $0x60  }
0x26: {  	[dreg:$0x2] =	wrdreg s25  }
0x27: {  	[dreg:$0x3] =	wrdreg s2  }
0x28: {  	[dreg:$0x4] =	wrdreg $0x9  }
0x29: {  	_ =	task.clear_ibuf [dreg:s7], $0x5FFFF;
	_ =	strace $0x90000046  }
0x2a: {  	s29 =	simm.s32 $0x9;
	_ =	strace $0x80000048  }
0x2b: {  	_ =	swait.ge [sflag:s29], $0x1  }
0x2c: {  	[sflag:s29] =	ssyncadd.s32 $0xFFFFFFFF  }
0x2d: {  	_ =	strace $0x90000048  }
0x2e: {  	_ =	sfence  }
0x2f: {  	s30 =	sld [smem:$0x0];
	_ =	sdelay $0x2  }
0x30: {  	s31 =	sshll.u32 s1, $0xD;
	s1 =	sshrl.u32 s1, $0x2  }
0x31: {  	s3 =	sand.u32 $0x4000, s31;
	s1 =	sadd.s32 s1, s30  }
0x32: {  	s0 =	sor.u32 s3, s0;
	s1 =	sshll.u32 s1, $0x11  }
0x33: {  	s0 =	sor.u32 s1, s0  }
0x34: {  	s0 =	sadd.s32 $0x8F2B, s0  }
0x35: {  	[sflag:s0] =	ssyncadd.remote.s32 $0x1  }
0x36: {  	_ =	sfence.sel $0xFFFF  }
0x37: {  	[dreg:$0x0] =	wrdreg $0xFFFFFFFF;
	(pc) =	sbr.abs _section_cstart, $3  }
0x38: {  	[dreg:$0x1] =	wrdreg $0xFFFFFFFF  }
0x39: {  	_ =	task.clear_ibuf [dreg:s7], $0x2FFFF;
	_ =	strace $0x9FFFFFFF  }
0x3a: {  	(tm) =	ssettm $0x7FFFFFFF  }
0x3b: {  	_ =	shalt  }
tec
execute0_lowered:
.L_overlay_start_1:
0x0: {  	(tag) =	ssettag $0x1  }
0x1: {  	s0 =	stileid.u32;
	s5 =	rddreg [dreg:$0x0]  }
0x2: {  	s1 =	srdreg.scid;
	s4 =	rddreg [dreg:$0x1]  }
0x3: {  	s9 =	simm.s32 $0x2;
	s17 =	simm.s32 $0x0;
	p0 =	por $0x0, $0x0  }
0x4: {  	s10 =	simm.s32 $0x800;
	s11 =	simm.s32 $0x4000;
	s18 =	simm.s32 $0x0  }
0x5: {  	s19 =	simm.s32 $0x0;
	s20 =	simm.s32 $0x0;
	s12 =	simm.s32 $0x0  }
0x6: {  	s16 =	simm.s32 $0x0;
	s1 =	sand.u32 $0x1, s1;
	s3 =	sand.u32 $0x1, s0  }
0x7: {  	s5 =	sadd.s32 $0x100E00, s5;
	s2 =	ssub.s32 $0x2, s3;
	s6 =	ssub.s32 $0x8, s1  }
0x8: {  	s7 =	sshrl.u32 s2, $0x1;
	s2 =	sand.u32 $0x1, s2;
	s8 =	sshrl.u32 s6, $0x1  }
.Ltmp0:
0x9: {  	s7 =	sadd.s32 s2, s7;
	s6 =	ssub.s32 s6, s8;
	(pc) =	sbr.rel .LBB1_1-.Ltmp0, $4  }
0xa: {  	s13 =	smov.u32 s1;
	s15 =	smov.u32 s3;
	s7 =	smul.u32 s6, s7  }
0xb: {  	s2 =	rddreg [dreg:$0x2];
	_ =	strace $0x80000047;
	s6 =	simm.s32 $0x1  }
0xc: {  	s8 =	sshrl.u32 s0, $0x1;
	[sflag:s6] =	ssyncpa.u1 $0x0;
	s7 =	sshll.u32 s7, $0x3  }
0xd: {  	s14 =	smov.u32 s8;
	[sflag:s9] =	ssyncpa.u1 $0x0;
	s9 =	sor.u32 $0x1, s7  }
.LBB1_7:
0xe: {  	s21 =	sadd.s32 $0x1, s12  }
0xf: {  	s17 =	sadd.s32 $0x2, s13;
	s22 =	smov.u32 s13;
	p2 =	sgt.s32 s21, $0x7  }
0x10: {  	s22 =	smov.u32 @p2 s17  }
0x11: {  	s23 =	smov.u32 s14;
	s17 =	sadd.s32 $0x8, s14;
	p3 =	sgt.s32 s22, $0x7  }
0x12: {  	s23 =	smov.u32 @p3 s17  }
0x13: {  	s24 =	smov.u32 s15;
	s17 =	sadd.s32 $0x2, s15;
	p4 =	sgt.s32 s23, $0x7  }
0x14: {  	p1 =	slt.u32 s16, $0x2;
	s24 =	smov.u32 @p4 s17  }
0x15: {  	s18 =	smov.u32 s13;
	s21 =	simm.s32 @p2 $0x0;
	p2 =	sgt.s32 s24, $0x1  }
0x16: {  	s25 =	simm.s32 @!p1 $0x2;
	s24 =	smov.u32 @p2 s3;
	p2 =	sne.s32 s16, s9  }
.Ltmp1:
0x17: {  	s19 =	smov.u32 s14;
	_ =	swait.ge @!p1 [sflag:s25], $0x4000;
	(pc) =	sbr.rel @!p2 .LBB1_8-.Ltmp1, $4  }
0x18: {  	s20 =	smov.u32 s15;
	[sflag:s25] =	ssyncset.done @!p1 $0x0;
	s22 =	smov.u32 @p3 s1  }
0x19: {  	p0 =	por !p0, !p0;
	[sflag:s25] =	ssyncadd.s32 @!p1 $0xFFFFC000;
	s13 =	smov.u32 s22  }
0x1a: {  	s23 =	smov.u32 @p4 s8;
	s17 =	smov.u32 s12;
	s12 =	smov.u32 s21  }
0x1b: {  	s14 =	smov.u32 s23;
	s16 =	sadd.s32 $0x1, s16;
	s15 =	smov.u32 s24  }
.LBB1_1:
0x1c: {  	p1 =	sge.u32 s16, s7  }
0x1d: {  	s21 =	sshll.u32 @!p1 s15, $0x14  }
0x1e: {  	s31 =	sadd.s32 $0xFFFFFFFF, s16;
	s22 =	sshll.u32 @!p1 s14, $0x11;
	s21 =	sadd.s32 @!p1 s5, s21  }
0x1f: {  	s23 =	sxor.u32 @!p1 $0xFFFFFFFF, s16;
	s24 =	sshll.u32 @!p1 s13, $0xE;
	s21 =	sadd.s32 @!p1 s22, s21  }
0x20: {  	s22 =	sshll.u32 @!p1 s23, $0xE;
	s23 =	sshll.u32 @!p1 s12, $0xB;
	s21 =	sadd.s32 @!p1 s24, s21  }
0x21: {  	s22 =	sand.u32 @!p1 $0x4000, s22;
	s21 =	sadd.s32 @!p1 s23, s21;
	s23 =	simm.s32 @!p1 $0x0  }
0x22: {  	[tilespmem:s22], [sflag:$0x1] =	stream.linear.gather @!p1 [hbm4b:s21+s23], $0x4000, $0x38;
	[tilespmem:$0x10000] =	vst v63  }
0x23: {  	p1 =	sge.u32 s31, s7  }
.Ltmp2:
0x24: {  	_ = 	snop;
	(pc) =	sbr.rel @p1 .LBB1_7-.Ltmp2, $1  }
0x25: {  	_ =	sdelay $0x3  }
0x26: {  	s21 =	simm.s32 $0x1;
	_ =	swait.ge [sflag:s6], $0x4000;
	s24 =	sshll.u32 s16, $0xE  }
0x27: {  	s21 =	simm.s32 @!p0 $0x0;
	[sflag:s6] =	ssyncset.done $0x0;
	s31 =	sand.u32 $0x4000, s24  }
0x28: {  	s24 =	simm.s32 $0x0;
	s21 =	sshll.u32 s21, $0xE;
	[sflag:s6] =	ssyncadd.s32 $0xFFFFC000  }
0x29: {  	s22 =	sor.u32 $0x400, s21;
	s23 =	sor.u32 $0x8470, s21;
	s21 =	sor.u32 $0x8000, s31  }
.LBB1_3:
0x2a: {  	v1 =	vmov s22;
	_ =	sdelay $0x3  }
0x2b: {  	s25 =	simm.s32 $0x0  }
0x2c: {  	v2 =	vld.idx.msk [tilespmem:v1+s25+$0x70 ss:$0x1], $0xffff  }
0x2d: {  	v0 =	vmov s23;
	v3 =	vld.idx.msk [tilespmem:v1+s25+$0xFFFFFC00 ss:$0x1], $0xffff  }
0x2e: {  	v4 =	vld.idx.msk [tilespmem:v1+s25+$0xFFFFFC10 ss:$0x1], $0xffff  }
0x2f: {  	v5 =	vld.idx.msk [tilespmem:v1+s25+$0xFFFFFC20 ss:$0x1], $0xffff  }
0x30: {  	v6 =	vld.idx.msk [tilespmem:v1+s25+$0xFFFFFC30 ss:$0x1], $0xffff  }
0x31: {  	v7 =	vld.idx.msk [tilespmem:v1+s25+$0xFFFFFC40 ss:$0x1], $0xffff  }
0x32: {  	v8 =	vld.idx.msk [tilespmem:v1+s25+$0xFFFFFC50 ss:$0x1], $0xffff;
	[tilespmem:v0+s25+$0x0 ss:$0x1] =	vst.idx.msk $0xffff, v2  }
0x33: {  	v9 =	vld.idx.msk [tilespmem:v1+s25+$0xFFFFFC60 ss:$0x1], $0xffff;
	[tilespmem:v0+s25+$0xFFFFFB90 ss:$0x1] =	vst.idx.msk $0xffff, v3  }
0x34: {  	v10 =	vld.idx.msk [tilespmem:v1+s25+$0xFFFFFC70 ss:$0x1], $0xffff;
	[tilespmem:v0+s25+$0xFFFFFBA0 ss:$0x1] =	vst.idx.msk $0xffff, v4  }
0x35: {  	v11 =	vld.idx.msk [tilespmem:v1+s25+$0x0 ss:$0x1], $0xffff;
	[tilespmem:v0+s25+$0xFFFFFBB0 ss:$0x1] =	vst.idx.msk $0xffff, v5  }
0x36: {  	[tilespmem:v0+s25+$0xFFFFFBC0 ss:$0x1] =	vst.idx.msk $0xffff, v6;
	v2 =	vld.idx.msk [tilespmem:v1+s25+$0x10 ss:$0x1], $0xffff  }
0x37: {  	[tilespmem:v0+s25+$0xFFFFFBD0 ss:$0x1] =	vst.idx.msk $0xffff, v7;
	v3 =	vld.idx.msk [tilespmem:v1+s25+$0x20 ss:$0x1], $0xffff  }
0x38: {  	[tilespmem:v0+s25+$0xFFFFFBE0 ss:$0x1] =	vst.idx.msk $0xffff, v8;
	v4 =	vld.idx.msk [tilespmem:v1+s25+$0x30 ss:$0x1], $0xffff  }
0x39: {  	[tilespmem:v0+s25+$0xFFFFFBF0 ss:$0x1] =	vst.idx.msk $0xffff, v9;
	v5 =	vld.idx.msk [tilespmem:v1+s25+$0x40 ss:$0x1], $0xffff  }
0x3a: {  	[tilespmem:v0+s25+$0xFFFFFC00 ss:$0x1] =	vst.idx.msk $0xffff, v10;
	v6 =	vld.idx.msk [tilespmem:v1+s25+$0x50 ss:$0x1], $0xffff  }
0x3b: {  	s26 =	simm.s32 $0x80;
	s27 =	simm.s32 $0x400;
	[tilespmem:v0+s25+$0xFFFFFF90 ss:$0x1] =	vst.idx.msk $0xffff, v11;
	v7 =	vld.idx.msk [tilespmem:v1+s25+$0x60 ss:$0x1], $0xffff  }
.LBB1_4:
0x3c: {  	p1 =	sne.s32 s27, $0xE00;
	v8 =	vld.idx.msk [tilespmem:v1+s26+$0x70 ss:$0x1], $0xffff;
	[tilespmem:v0+s25+$0xFFFFFFA0 ss:$0x1] =	vst.idx.msk $0xffff, v2  }
0x3d: {  	v2 =	vld.idx.msk [tilespmem:v1+s26+$0xFFFFFC00 ss:$0x1], $0xffff;
	[tilespmem:v0+s25+$0xFFFFFFB0 ss:$0x1] =	vst.idx.msk $0xffff, v3  }
0x3e: {  	v3 =	vld.idx.msk [tilespmem:v1+s26+$0xFFFFFC10 ss:$0x1], $0xffff;
	[tilespmem:v0+s25+$0xFFFFFFC0 ss:$0x1] =	vst.idx.msk $0xffff, v4  }
0x3f: {  	v4 =	vld.idx.msk [tilespmem:v1+s26+$0xFFFFFC20 ss:$0x1], $0xffff;
	[tilespmem:v0+s25+$0xFFFFFFD0 ss:$0x1] =	vst.idx.msk $0xffff, v5  }
0x40: {  	v5 =	vld.idx.msk [tilespmem:v1+s26+$0xFFFFFC30 ss:$0x1], $0xffff;
	[tilespmem:v0+s25+$0xFFFFFFE0 ss:$0x1] =	vst.idx.msk $0xffff, v6  }
0x41: {  	v6 =	vld.idx.msk [tilespmem:v1+s26+$0xFFFFFC40 ss:$0x1], $0xffff;
	[tilespmem:v0+s25+$0xFFFFFFF0 ss:$0x1] =	vst.idx.msk $0xffff, v7;
	s25 =	smov.u32 s26  }
0x42: {  	v7 =	vld.idx.msk [tilespmem:v1+s25+$0xFFFFFC50 ss:$0x1], $0xffff;
	[tilespmem:v0+s25+$0x0 ss:$0x1] =	vst.idx.msk $0xffff, v8  }
0x43: {  	[tilespmem:v0+s25+$0xFFFFFB90 ss:$0x1] =	vst.idx.msk $0xffff, v2;
	v8 =	vld.idx.msk [tilespmem:v1+s25+$0xFFFFFC60 ss:$0x1], $0xffff  }
0x44: {  	[tilespmem:v0+s25+$0xFFFFFBA0 ss:$0x1] =	vst.idx.msk $0xffff, v3;
	v9 =	vld.idx.msk [tilespmem:v1+s25+$0xFFFFFC70 ss:$0x1], $0xffff  }
0x45: {  	[tilespmem:v0+s25+$0xFFFFFBB0 ss:$0x1] =	vst.idx.msk $0xffff, v4;
	v10 =	vld.idx.msk [tilespmem:v1+s25+$0x0 ss:$0x1], $0xffff  }
0x46: {  	[tilespmem:v0+s25+$0xFFFFFBC0 ss:$0x1] =	vst.idx.msk $0xffff, v5;
	v2 =	vld.idx.msk [tilespmem:v1+s25+$0x10 ss:$0x1], $0xffff  }
.Ltmp3:
0x47: {  	[tilespmem:v0+s25+$0xFFFFFBD0 ss:$0x1] =	vst.idx.msk $0xffff, v6;
	v3 =	vld.idx.msk [tilespmem:v1+s25+$0x20 ss:$0x1], $0xffff;
	(pc) =	sbr.rel @p1 .LBB1_4-.Ltmp3, $4  }
0x48: {  	[tilespmem:v0+s25+$0xFFFFFBE0 ss:$0x1] =	vst.idx.msk $0xffff, v7;
	v4 =	vld.idx.msk [tilespmem:v1+s25+$0x30 ss:$0x1], $0xffff  }
0x49: {  	[tilespmem:v0+s25+$0xFFFFFBF0 ss:$0x1] =	vst.idx.msk $0xffff, v8;
	v5 =	vld.idx.msk [tilespmem:v1+s25+$0x40 ss:$0x1], $0xffff  }
0x4a: {  	[tilespmem:v0+s25+$0xFFFFFC00 ss:$0x1] =	vst.idx.msk $0xffff, v9;
	v6 =	vld.idx.msk [tilespmem:v1+s25+$0x50 ss:$0x1], $0xffff  }
0x4b: {  	s26 =	sshra.s32 s27, $0x2;
	s27 =	sadd.s32 $0x200, s27;
	[tilespmem:v0+s25+$0xFFFFFF90 ss:$0x1] =	vst.idx.msk $0xffff, v10;
	v7 =	vld.idx.msk [tilespmem:v1+s25+$0x60 ss:$0x1], $0xffff  }
0x4c: {  	_ =	sdelay $0x3  }
0x4d: {  	[tilespmem:v0+s25+$0xFFFFFFA0 ss:$0x1] =	vst.idx.msk $0xffff, v2  }
0x4e: {  	v48 =	vld.idx.msk [tilespmem:v1+s26+$0x70 ss:$0x1], $0xffff;
	[tilespmem:v0+s25+$0xFFFFFFB0 ss:$0x1] =	vst.idx.msk $0xffff, v3  }
0x4f: {  	v49 =	vld.idx.msk [tilespmem:v1+s26+$0xFFFFFC00 ss:$0x1], $0xffff;
	[tilespmem:v0+s25+$0xFFFFFFC0 ss:$0x1] =	vst.idx.msk $0xffff, v4  }
0x50: {  	v50 =	vld.idx.msk [tilespmem:v1+s26+$0xFFFFFC10 ss:$0x1], $0xffff;
	[tilespmem:v0+s25+$0xFFFFFFD0 ss:$0x1] =	vst.idx.msk $0xffff, v5  }
0x51: {  	v51 =	vld.idx.msk [tilespmem:v1+s26+$0xFFFFFC20 ss:$0x1], $0xffff;
	[tilespmem:v0+s25+$0xFFFFFFE0 ss:$0x1] =	vst.idx.msk $0xffff, v6  }
0x52: {  	v52 =	vld.idx.msk [tilespmem:v1+s26+$0xFFFFFC30 ss:$0x1], $0xffff;
	[tilespmem:v0+s25+$0xFFFFFFF0 ss:$0x1] =	vst.idx.msk $0xffff, v7  }
0x53: {  	v53 =	vld.idx.msk [tilespmem:v1+s26+$0xFFFFFC40 ss:$0x1], $0xffff;
	[tilespmem:v0+s26+$0x0 ss:$0x1] =	vst.idx.msk $0xffff, v48  }
0x54: {  	v54 =	vld.idx.msk [tilespmem:v1+s26+$0xFFFFFC50 ss:$0x1], $0xffff;
	[tilespmem:v0+s26+$0xFFFFFB90 ss:$0x1] =	vst.idx.msk $0xffff, v49  }
0x55: {  	v55 =	vld.idx.msk [tilespmem:v1+s26+$0xFFFFFC60 ss:$0x1], $0xffff;
	[tilespmem:v0+s26+$0xFFFFFBA0 ss:$0x1] =	vst.idx.msk $0xffff, v50  }
0x56: {  	v56 =	vld.idx.msk [tilespmem:v1+s26+$0xFFFFFC70 ss:$0x1], $0xffff;
	[tilespmem:v0+s26+$0xFFFFFBB0 ss:$0x1] =	vst.idx.msk $0xffff, v51  }
0x57: {  	v57 =	vld.idx.msk [tilespmem:v1+s26+$0x0 ss:$0x1], $0xffff;
	[tilespmem:v0+s26+$0xFFFFFBC0 ss:$0x1] =	vst.idx.msk $0xffff, v52  }
0x58: {  	v58 =	vld.idx.msk [tilespmem:v1+s26+$0x10 ss:$0x1], $0xffff;
	[tilespmem:v0+s26+$0xFFFFFBD0 ss:$0x1] =	vst.idx.msk $0xffff, v53  }
0x59: {  	v59 =	vld.idx.msk [tilespmem:v1+s26+$0x20 ss:$0x1], $0xffff;
	[tilespmem:v0+s26+$0xFFFFFBE0 ss:$0x1] =	vst.idx.msk $0xffff, v54  }
0x5a: {  	v60 =	vld.idx.msk [tilespmem:v1+s26+$0x30 ss:$0x1], $0xffff;
	[tilespmem:v0+s26+$0xFFFFFBF0 ss:$0x1] =	vst.idx.msk $0xffff, v55  }
0x5b: {  	v61 =	vld.idx.msk [tilespmem:v1+s26+$0x40 ss:$0x1], $0xffff;
	[tilespmem:v0+s26+$0xFFFFFC00 ss:$0x1] =	vst.idx.msk $0xffff, v56  }
0x5c: {  	v62 =	vld.idx.msk [tilespmem:v1+s26+$0x50 ss:$0x1], $0xffff;
	s24 =	sadd.s32 $0x1, s24;
	[tilespmem:v0+s26+$0xFFFFFF90 ss:$0x1] =	vst.idx.msk $0xffff, v57  }
0x5d: {  	v63 =	vld.idx.msk [tilespmem:v1+s26+$0x60 ss:$0x1], $0xffff;
	p1 =	sne.s32 s24, $0x8;
	[tilespmem:v0+s26+$0xFFFFFFA0 ss:$0x1] =	vst.idx.msk $0xffff, v58  }
.Ltmp4:
0x5e: {  	[tilespmem:v0+s26+$0xFFFFFFB0 ss:$0x1] =	vst.idx.msk $0xffff, v59;
	(pc) =	sbr.rel @p1 .LBB1_3-.Ltmp4, $4  }
0x5f: {  	[tilespmem:v0+s26+$0xFFFFFFC0 ss:$0x1] =	vst.idx.msk $0xffff, v60  }
0x60: {  	[tilespmem:v0+s26+$0xFFFFFFD0 ss:$0x1] =	vst.idx.msk $0xffff, v61  }
0x61: {  	[tilespmem:v0+s26+$0xFFFFFFE0 ss:$0x1] =	vst.idx.msk $0xffff, v62  }
0x62: {  	s22 =	sadd.s32 $0x800, s22;
	s23 =	sadd.s32 $0x800, s23;
	[tilespmem:v0+s26+$0xFFFFFFF0 ss:$0x1] =	vst.idx.msk $0xffff, v63  }
0x63: {  	s20 =	sshll.u32 s20, $0x14  }
.Ltmp5:
0x64: {  	s19 =	sshll.u32 s19, $0xE;
	s20 =	sadd.s32 s4, s20;
	(pc) =	sbr.rel .LBB1_7-.Ltmp5, $4  }
0x65: {  	s18 =	sshll.u32 s18, $0x8;
	s19 =	sadd.s32 s19, s20  }
0x66: {  	s17 =	sshll.u32 s17, $0x11;
	s18 =	sadd.s32 s18, s19  }
0x67: {  	s17 =	sadd.s32 s17, s18  }
0x68: {  	[hbm4b:s17+s10] =	stream.strided.scatter [tilespmem:s21], [sflag:$0x2], $0x4000, s11, s10, $0x38;
	[tilespmem:$0x10000] =	vst v63  }
.LBB1_8:
0x69: {  	_ =	sfence.sel $0x180000  }
0x6a: {  	s1 =	simm.s32 $0x1;
	[bflag:$0x0] =	sbarrier.arrive $0xFFFF  }
0x6b: {  	s31 =	simm.s32 $0x2;
	[sflag:s1] =	ssyncpa.u1 $0x1  }
0x6c: {  	[sflag:s31] =	ssyncpa.u1 $0x1  }
0x6d: {  	p0 =	sne.s32 s0, $0x0;
	_ =	strace $0x90000047  }
0x6e: {  	s0 =	sadd.s32 @!p0 $0x100000, s2;
	[bflag:$0x2] =	sbarrier.arrive $0xFFFF  }
0x6f: {  	[sflag:s0] =	ssyncadd.tile.s32 @!p0 $0x1;
	_ =	shalt  }
.Lfunc_end1:
_tile_overlayer_lowered:
.L_overlay_start_2:
0x70: {  	(tag) =	ssettag $0x2  }
0x71: {  	s0 =	rddreg [dreg:$0x0];
	s2 =	stileid.u32  }
0x72: {  	s1 =	rddreg [dreg:$0x1];
	p0 =	sne.s32 s2, $0x0  }
0x73: {  	s3 =	rddreg [dreg:$0x2];
	[bflag:$0x3] =	sbarrier.arrive $0xFFFF;
	s2 =	simm.s32 @!p0 $0x1C01  }
0x74: {  	[timem:s3], [sflag:s2] =	dma.local @!p0 [hbm:s0], s1  }
0x75: {  	s0 =	simm.s32 @!p0 $0x1  }
0x76: {  	_ =	swait.ge @!p0 [sflag:s0], s1  }
0x77: {  	s1 =	ssub.s32 @!p0 $0x0, s1;
	[sflag:s0] =	ssyncset.done @!p0 $0x0  }
0x78: {  	[sflag:s0] =	ssyncadd.s32 @!p0 s1  }
0x79: {  	[bflag:$0x3] =	sbarrier.arrive $0xFFFF  }
0x7a: {  	_ =	shalt  }

</sc_bundles>
